<compile_context>
chip_gen: v7x
topology: tpu7x:2x2x1
jax: 0.10.2.dev20260603
libtpu: 0.0.44.dev20260713+nightly
codegen_flags: <defaults>
</compile_context>

<pallas_src>
import functools

import jax
import jax.numpy as jnp
from jax import lax
from jax.experimental import pallas as pl
from jax.experimental.pallas import tpu as pltpu
from jax.experimental.pallas import tpu_sc as plsc

N = 10000
NE = 320000
F0, F1, F2 = 128, 128, 100
D = 128
NC, NS = 2, 16
NW = NC * NS
EPW = NE // NW
K = 100
NP = 10240
RPT = NP // NS

_mesh = plsc.VectorSubcoreMesh(core_axis_name="c", subcore_axis_name="s")


@functools.partial(
    pl.kernel,
    out_type=jax.ShapeDtypeStruct((NW * N,), jnp.float32),
    mesh=_mesh,
    scratch_types=[
        pltpu.VMEM((EPW,), jnp.int32),
        pltpu.VMEM((N,), jnp.float32),
    ],
    compiler_params=pltpu.CompilerParams(needs_layout_passes=False),
)
def _sc_degree(dst_hbm, deg_hbm, dst_v, hist_v):
    wid = lax.axis_index("s") * NC + lax.axis_index("c")
    pltpu.sync_copy(dst_hbm.at[pl.ds(wid * EPW, EPW)], dst_v)
    zeros16 = jnp.zeros((16,), jnp.float32)

    def zero_body(i, carry):
        hist_v[pl.ds(i * 16, 16)] = zeros16
        return carry

    lax.fori_loop(0, N // 16, zero_body, 0)
    ones16 = jnp.ones((16,), jnp.float32)

    def scat_body(i, carry):
        idx = dst_v[pl.ds(i * 16, 16)]
        plsc.addupdate_scatter(hist_v, [idx], ones16)
        return carry

    lax.fori_loop(0, EPW // 16, scat_body, 0)
    pltpu.sync_copy(hist_v, deg_hbm.at[pl.ds(wid * N, N)])


def _make_sc_pass(d, k):
    ch_n = EPW // k

    @functools.partial(
        pl.kernel,
        out_type=jax.ShapeDtypeStruct((NC, NP, d), jnp.float32),
        mesh=_mesh,
        scratch_types=[
            pltpu.VMEM((2, ch_n, k), jnp.int32),
            pltpu.VMEM((2, k, d), jnp.float32),
            pltpu.VMEM_SHARED((NP, d), jnp.float32),
            pltpu.SemaphoreType.DMA,
        ],
        compiler_params=pltpu.CompilerParams(use_tc_tiling_on_sc=False),
    )
    def _pass(y_hbm, edge_hbm, zero_hbm, out_hbm, e_v, rows_v, acc_sh, sem0):
        cid = lax.axis_index("c")
        sid = lax.axis_index("s")
        wid = sid * NC + cid
        row0 = sid * RPT
        pltpu.sync_copy(edge_hbm.at[wid], e_v)
        pltpu.async_copy(y_hbm.at[e_v.at[0, 0]], rows_v.at[0], sem0)
        pltpu.sync_copy(zero_hbm.at[pl.ds(row0, RPT)],
                        acc_sh.at[pl.ds(row0, RPT)])
        plsc.subcore_barrier()

        def body(g, carry):
            for b in range(2):
                ch = g * 2 + b
                nxt = lax.rem(ch + 1, ch_n)
                pltpu.async_copy(y_hbm.at[e_v.at[0, nxt]], rows_v.at[1 - b],
                                 sem0)
                pltpu.make_async_copy(y_hbm.at[e_v.at[0, ch]], rows_v.at[b],
                                      sem0).wait()
                pltpu.sync_copy(rows_v.at[b], acc_sh.at[e_v.at[1, ch]],
                                add=True)
            return carry

        lax.fori_loop(0, ch_n // 2, body, 0)
        pltpu.make_async_copy(y_hbm.at[e_v.at[0, 0]], rows_v.at[0],
                              sem0).wait()
        plsc.subcore_barrier()
        pltpu.sync_copy(acc_sh.at[pl.ds(row0, RPT)],
                        out_hbm.at[cid, pl.ds(row0, RPT)])

    return _pass


D2 = 112
K2 = 100
_sc_pass1 = _make_sc_pass(D, K)
_sc_pass2 = _make_sc_pass(D2, K2)


def _dinv(deg_ref):
    return lax.rsqrt(jnp.sum(deg_ref[...], axis=0) + 1.0)


def _tc1_body(x_ref, w_ref, deg_ref, o_ref):
    dinv = _dinv(deg_ref)
    o_ref[...] = jnp.dot(x_ref[...], w_ref[...],
                         preferred_element_type=jnp.float32) * dinv[:, None]


_tc1 = pl.pallas_call(
    _tc1_body, out_shape=jax.ShapeDtypeStruct((N, F1), jnp.float32))


def _tc2_body(p_ref, y1_ref, deg_ref, b1_ref, w2_ref, o_ref):
    dinv = _dinv(deg_ref)
    agg = p_ref[0, :N] + p_ref[1, :N] + y1_ref[...]
    h = jnp.maximum(agg * dinv[:, None] + b1_ref[...], 0.0)
    o_ref[...] = jnp.dot(h, w2_ref[...],
                         preferred_element_type=jnp.float32) * dinv[:, None]


_tc2 = pl.pallas_call(
    _tc2_body, out_shape=jax.ShapeDtypeStruct((N, D2), jnp.float32))


def _tc3_body(p_ref, y2_ref, deg_ref, b2_ref, o_ref):
    dinv = _dinv(deg_ref)
    agg = p_ref[0, :N, :F2] + p_ref[1, :N, :F2] + y2_ref[..., :F2]
    o_ref[...] = agg * dinv[:, None] + b2_ref[...]


_tc3 = pl.pallas_call(
    _tc3_body, out_shape=jax.ShapeDtypeStruct((N, F2), jnp.float32))


def kernel(x, edges, W1, b1, W2, b2):
    src_flat = edges[0].astype(jnp.int32)
    dst_flat = edges[1].astype(jnp.int32)
    ed = jnp.stack([src_flat, dst_flat]).reshape(2, NW, EPW)
    edge1 = ed.transpose(1, 0, 2).reshape(NW, 2, EPW // K, K)
    edge2 = ed.transpose(1, 0, 2).reshape(NW, 2, EPW // K2, K2)
    deg = _sc_degree(dst_flat).reshape(NW, N)
    zeros1 = jnp.zeros((NP, D), jnp.float32)
    zeros2 = jnp.zeros((NP, D2), jnp.float32)
    y1 = _tc1(x, W1, deg)
    p1 = _sc_pass1(y1, edge1, zeros1)
    W2p = jnp.pad(W2, ((0, 0), (0, D2 - F2)))
    y2 = _tc2(p1, y1, deg, b1.reshape(1, F1), W2p)
    p2 = _sc_pass2(y2, edge2, zeros2)
    out = _tc3(p2, y2, deg, b2.reshape(1, F2))
    return out

# --- scband reference (transcript-rebuilt; emitter-appended) ---
"""Pipeline reference for scband-multi-gcn-20040317403628 (READ-ONLY COPY).

The authoritative reference and input builder live on the scoring server;
editing this copy changes nothing except your own understanding.
"""

import jax, jax.numpy as jnp
import numpy as np

N_NODES = 10000
N_EDGES = 320000
N_UNITS = [128, 128, 100]


def gcn_conv(x, edge_index, W, b):
    # PyG GCNConv with add_self_loops=True, normalize=True, bias=True
    N = x.shape[0]
    src = edge_index[0]
    dst = edge_index[1]
    loop = jnp.arange(N, dtype=edge_index.dtype)
    src = jnp.concatenate([src, loop])
    dst = jnp.concatenate([dst, loop])
    ew = jnp.ones(src.shape[0], dtype=x.dtype)
    deg = jnp.zeros(N, dtype=x.dtype).at[dst].add(ew)
    dinv = jnp.where(deg > 0, deg ** -0.5, 0.0)
    norm = dinv[src] * dinv[dst]
    h = x @ W  # linear (no bias inside lin)
    msg = h[src] * norm[:, None]
    out = jnp.zeros((N, W.shape[1]), dtype=x.dtype).at[dst].add(msg)
    return out + b


def setup_inputs(seed: int = 0) -> dict:
    key = jax.random.key(seed)
    k1, k2, k3 = jax.random.split(key, 3)
    x = jax.random.normal(k1, (N_NODES, N_UNITS[0]), dtype=jnp.float32)
    edges = jax.random.randint(k2, (2, N_EDGES), 0, N_NODES, dtype=jnp.int64)
    kw1, kw2 = jax.random.split(k3)
    W1 = jax.random.normal(kw1, (N_UNITS[0], N_UNITS[1]), dtype=jnp.float32) * (1.0 / np.sqrt(N_UNITS[0]))
    b1 = jnp.zeros((N_UNITS[1],), dtype=jnp.float32)
    W2 = jax.random.normal(kw2, (N_UNITS[1], N_UNITS[2]), dtype=jnp.float32) * (1.0 / np.sqrt(N_UNITS[1]))
    b2 = jnp.zeros((N_UNITS[2],), dtype=jnp.float32)
    return {"x": x, "edges": edges, "W1": W1, "b1": b1, "W2": W2, "b2": b2}


def reference(x, edges, W1, b1, W2, b2):
    edges = edges.astype(jnp.int64)
    h = gcn_conv(x, edges, W1, b1)
    h = jax.nn.relu(h)  # relu between layers; dropout=0.0 is a no-op
    out = gcn_conv(h, edges, W2, b2)
    return out

if __name__ == "__main__":
    import jax
    _d = setup_inputs()
    print(jax.jit(kernel)(*tuple(_d.values())))

</pallas_src>

<mosaic_0001>
#map = affine_map<(d0, d1) -> (0)>
module attributes {stable_mosaic.version = 14 : i64} {
  func.func @_sc_degree(%arg0: i32, %arg1: i32, %arg2: memref<320000xi32, #tpu.memory_space<hbm>>, %arg3: memref<320000xf32, #tpu.memory_space<hbm>>, %arg4: memref<10000xi32, #tpu.memory_space<vmem>>, %arg5: memref<10000xf32, #tpu.memory_space<vmem>>) attributes {dimension_semantics = [#tpu.dimension_semantics<core_parallel>, #tpu.dimension_semantics<subcore_parallel>], iteration_bounds = array<i64: 2, 16>, scalar_prefetch = 0 : i64, scratch_operands = 2 : i64, tpu.core_type = #tpu.core_type<sc_vector_subcore>, window_params = [{transform_indices = #map}, {transform_indices = #map}]} {
    %mul3A = arith.constant 2 : i32
    %mul3A_0 = arith.muli %arg1, %mul3A : i32
    %add3A = arith.addi %mul3A_0, %arg0 : i32
    %mul3A_1 = arith.constant 10000 : i32
    %mul3A_2 = arith.muli %add3A, %mul3A_1 : i32
    "tpu.region"() ({
      %run_scoped3A = tpu.sem_alloc : memref<!tpu.dma_semaphore, #tpu.memory_space<semaphore_mem>>
      %dma_start3A = tpu.memref_slice %arg2[%mul3A_2] : memref<320000xi32, #tpu.memory_space<hbm>> -> memref<10000xi32, #tpu.memory_space<hbm>>
      %dma_start3A_19 = tpu.memref_slice %arg2[%mul3A_2] : memref<320000xi32, #tpu.memory_space<hbm>> -> memref<10000xi32, #tpu.memory_space<hbm>>
      tpu.enqueue_dma source(%dma_start3A_19 : memref<10000xi32, #tpu.memory_space<hbm>>) target(%arg4 : memref<10000xi32, #tpu.memory_space<vmem>>) target_semaphore(%run_scoped3A : memref<!tpu.dma_semaphore, #tpu.memory_space<semaphore_mem>>)
      %dma_wait3A = tpu.memref_slice %arg2[%mul3A_2] : memref<320000xi32, #tpu.memory_space<hbm>> -> memref<10000xi32, #tpu.memory_space<hbm>>
      %dma_wait3A_20 = tpu.memref_slice %arg2[%mul3A_2] : memref<320000xi32, #tpu.memory_space<hbm>> -> memref<10000xi32, #tpu.memory_space<hbm>>
      tpu.wait_dma2 semaphore(%run_scoped3A : memref<!tpu.dma_semaphore, #tpu.memory_space<semaphore_mem>>) src(%dma_wait3A_20 : memref<10000xi32, #tpu.memory_space<hbm>>) dst(%arg4 : memref<10000xi32, #tpu.memory_space<vmem>>)
      tpu.yield
    }) : () -> ()
    %broadcast_in_dim3A = arith.constant 0.000000e+00 : f32
    %broadcast_in_dim3A_3 = vector.broadcast %broadcast_in_dim3A : f32 to vector<16xf32>
    %scan3A = arith.constant 0 : i32
    %scan3A_4 = arith.constant 0 : i32
    %scan3A_5 = arith.constant 625 : i32
    %scan3A_6 = arith.addi %scan3A_4, %scan3A_5 : i32
    %scan3A_7 = arith.constant 1 : i32
    scf.for %scan3A_19 = %scan3A_4 to %scan3A_6 step %scan3A_7  : i32 {
      %mul3A_20 = arith.constant 16 : i32
      %mul3A_21 = arith.muli %scan3A_19, %mul3A_20 : i32
      %swap3A = arith.index_cast %mul3A_21 : i32 to index
      %swap3A_22 = tpu.vector_load %arg5[%swap3A] {strides = array<i32>} : memref<10000xf32, #tpu.memory_space<vmem>>, vector<16xf32>,
      tpu.vector_store %arg5[%swap3A], %broadcast_in_dim3A_3 {strides = array<i32>} : memref<10000xf32, #tpu.memory_space<vmem>>, vector<16xf32>,
    }
    %scan3A_8 = arith.constant 625 : i32
    %broadcast_in_dim3A_9 = arith.constant 1.000000e+00 : f32
    %broadcast_in_dim3A_10 = vector.broadcast %broadcast_in_dim3A_9 : f32 to vector<16xf32>
    %scan3A_11 = arith.constant 0 : i32
    %scan3A_12 = arith.constant 0 : i32
    %scan3A_13 = arith.constant 625 : i32
    %scan3A_14 = arith.addi %scan3A_12, %scan3A_13 : i32
    %scan3A_15 = arith.constant 1 : i32
    scf.for %scan3A_19 = %scan3A_12 to %scan3A_14 step %scan3A_15  : i32 {
      %mul3A_20 = arith.constant 16 : i32
      %mul3A_21 = arith.muli %scan3A_19, %mul3A_20 : i32
      %get3A = arith.index_cast %mul3A_21 : i32 to index
      %get3A_22 = tpu.vector_load %arg4[%get3A] {strides = array<i32>} : memref<10000xi32, #tpu.memory_space<vmem>>, vector<16xi32>,
      tpu.vector_store_idx %arg5[%get3A_22], %broadcast_in_dim3A_10 {add = true} : memref<10000xf32, #tpu.memory_space<vmem>>[vector<16xi32>], vector<16xf32>,
    }
    %scan3A_16 = arith.constant 625 : i32
    %mul3A_17 = arith.constant 10000 : i32
    %mul3A_18 = arith.muli %add3A, %mul3A_17 : i32
    "tpu.region"() ({
      %run_scoped3A = tpu.sem_alloc : memref<!tpu.dma_semaphore, #tpu.memory_space<semaphore_mem>>
      %dma_start3A = tpu.memref_slice %arg3[%mul3A_18] : memref<320000xf32, #tpu.memory_space<hbm>> -> memref<10000xf32, #tpu.memory_space<hbm>>
      %dma_start3A_19 = tpu.memref_slice %arg3[%mul3A_18] : memref<320000xf32, #tpu.memory_space<hbm>> -> memref<10000xf32, #tpu.memory_space<hbm>>
      tpu.enqueue_dma source(%arg5 : memref<10000xf32, #tpu.memory_space<vmem>>) target(%dma_start3A_19 : memref<10000xf32, #tpu.memory_space<hbm>>) target_semaphore(%run_scoped3A : memref<!tpu.dma_semaphore, #tpu.memory_space<semaphore_mem>>)
      %dma_wait3A = tpu.memref_slice %arg3[%mul3A_18] : memref<320000xf32, #tpu.memory_space<hbm>> -> memref<10000xf32, #tpu.memory_space<hbm>>
      %dma_wait3A_20 = tpu.memref_slice %arg3[%mul3A_18] : memref<320000xf32, #tpu.memory_space<hbm>> -> memref<10000xf32, #tpu.memory_space<hbm>>
      tpu.wait_dma2 semaphore(%run_scoped3A : memref<!tpu.dma_semaphore, #tpu.memory_space<semaphore_mem>>) src(%arg5 : memref<10000xf32, #tpu.memory_space<vmem>>) dst(%dma_wait3A_20 : memref<10000xf32, #tpu.memory_space<hbm>>)
      tpu.yield
    }) : () -> ()
    return
  }
}

#map = affine_map<(d0, d1) -> (0, 0)>
#map1 = affine_map<(d0, d1) -> (0, 0, 0, 0)>
#map2 = affine_map<(d0, d1) -> (0, 0, 0)>
module attributes {stable_mosaic.version = 14 : i64} {
  func.func @_pass(%arg0: i32, %arg1: i32, %arg2: memref<10000x128xf32, #tpu.memory_space<hbm>>, %arg3: memref<32x2x100x100xi32, #tpu.memory_space<hbm>>, %arg4: memref<10240x128xf32, #tpu.memory_space<hbm>>, %arg5: memref<2x10240x128xf32, #tpu.memory_space<hbm>>, %arg6: memref<2x100x100xi32, #tpu.memory_space<vmem>>, %arg7: memref<2x100x128xf32, #tpu.memory_space<vmem>>, %arg8: memref<10240x128xf32, #tpu.memory_space<vmem_shared>>, %arg9: memref<!tpu.dma_semaphore, #tpu.memory_space<semaphore_mem>>) attributes {dimension_semantics = [#tpu.dimension_semantics<core_parallel>, #tpu.dimension_semantics<subcore_parallel>], iteration_bounds = array<i64: 2, 16>, scalar_prefetch = 0 : i64, scratch_operands = 4 : i64, tpu.core_type = #tpu.core_type<sc_vector_subcore>, window_params = [{transform_indices = #map}, {transform_indices = #map1}, {transform_indices = #map}, {transform_indices = #map2}]} {
    %mul3A = arith.constant 2 : i32
    %mul3A_0 = arith.muli %arg1, %mul3A : i32
    %add3A = arith.addi %mul3A_0, %arg0 : i32
    %mul3A_1 = arith.constant 640 : i32
    %mul3A_2 = arith.muli %arg1, %mul3A_1 : i32
    "tpu.region"() ({
      %run_scoped3A = tpu.sem_alloc : memref<!tpu.dma_semaphore, #tpu.memory_space<semaphore_mem>>
      %dma_start3A_33 = arith.constant 0 : i32
      %dma_start3A_34 = arith.constant 0 : i32
      %dma_start3A_35 = arith.constant 0 : i32
      %dma_start3A_36 = tpu.memref_slice %arg3[%add3A, %dma_start3A_33, %dma_start3A_34, %dma_start3A_35] : memref<32x2x100x100xi32, #tpu.memory_space<hbm>> -> memref<1x2x100x100xi32, #tpu.memory_space<hbm>>
      %dma_start3A_37 = tpu.memref_squeeze %dma_start3A_36 : memref<1x2x100x100xi32, #tpu.memory_space<hbm>> -> memref<2x100x100xi32, #tpu.memory_space<hbm>>
      %dma_start3A_38 = arith.constant 0 : i32
      %dma_start3A_39 = arith.constant 0 : i32
      %dma_start3A_40 = arith.constant 0 : i32
      %dma_start3A_41 = tpu.memref_slice %arg3[%add3A, %dma_start3A_38, %dma_start3A_39, %dma_start3A_40] : memref<32x2x100x100xi32, #tpu.memory_space<hbm>> -> memref<1x2x100x100xi32, #tpu.memory_space<hbm>>
      %dma_start3A_42 = tpu.memref_squeeze %dma_start3A_41 : memref<1x2x100x100xi32, #tpu.memory_space<hbm>> -> memref<2x100x100xi32, #tpu.memory_space<hbm>>
      tpu.enqueue_dma source(%dma_start3A_42 : memref<2x100x100xi32, #tpu.memory_space<hbm>>) target(%arg6 : memref<2x100x100xi32, #tpu.memory_space<vmem>>) target_semaphore(%run_scoped3A : memref<!tpu.dma_semaphore, #tpu.memory_space<semaphore_mem>>)
      %dma_wait3A_43 = arith.constant 0 : i32
      %dma_wait3A_44 = arith.constant 0 : i32
      %dma_wait3A_45 = arith.constant 0 : i32
      %dma_wait3A_46 = tpu.memref_slice %arg3[%add3A, %dma_wait3A_43, %dma_wait3A_44, %dma_wait3A_45] : memref<32x2x100x100xi32, #tpu.memory_space<hbm>> -> memref<1x2x100x100xi32, #tpu.memory_space<hbm>>
      %dma_wait3A_47 = tpu.memref_squeeze %dma_wait3A_46 : memref<1x2x100x100xi32, #tpu.memory_space<hbm>> -> memref<2x100x100xi32, #tpu.memory_space<hbm>>
      %dma_wait3A_48 = arith.constant 0 : i32
      %dma_wait3A_49 = arith.constant 0 : i32
      %dma_wait3A_50 = arith.constant 0 : i32
      %dma_wait3A_51 = tpu.memref_slice %arg3[%add3A, %dma_wait3A_48, %dma_wait3A_49, %dma_wait3A_50] : memref<32x2x100x100xi32, #tpu.memory_space<hbm>> -> memref<1x2x100x100xi32, #tpu.memory_space<hbm>>
      %dma_wait3A_52 = tpu.memref_squeeze %dma_wait3A_51 : memref<1x2x100x100xi32, #tpu.memory_space<hbm>> -> memref<2x100x100xi32, #tpu.memory_space<hbm>>
      tpu.wait_dma2 semaphore(%run_scoped3A : memref<!tpu.dma_semaphore, #tpu.memory_space<semaphore_mem>>) src(%dma_wait3A_52 : memref<2x100x100xi32, #tpu.memory_space<hbm>>) dst(%arg6 : memref<2x100x100xi32, #tpu.memory_space<vmem>>)
      tpu.yield
    }) : () -> ()
    %dma_start3A = arith.constant 0 : i32
    %dma_start3A_3 = arith.constant 0 : i32
    %dma_start3A_4 = arith.constant 0 : i32
    %dma_start3A_5 = arith.constant 0 : i32
    %dma_start3A_6 = arith.constant 0 : i32
    %dma_start3A_7 = tpu.memref_slice %arg7[%dma_start3A_4, %dma_start3A_5, %dma_start3A_6] : memref<2x100x128xf32, #tpu.memory_space<vmem>> -> memref<1x100x128xf32, #tpu.memory_space<vmem>>
    %dma_start3A_8 = tpu.memref_squeeze %dma_start3A_7 : memref<1x100x128xf32, #tpu.memory_space<vmem>> -> memref<100x128xf32, #tpu.memory_space<vmem>>
    %dma_start3A_9 = arith.constant 0 : i32
    %dma_start3A_10 = tpu.memref_slice %arg6[%dma_start3A, %dma_start3A_3, %dma_start3A_9] : memref<2x100x100xi32, #tpu.memory_space<vmem>> -> memref<1x1x100xi32, #tpu.memory_space<vmem>>
    %dma_start3A_11 = tpu.memref_squeeze %dma_start3A_10 : memref<1x1x100xi32, #tpu.memory_space<vmem>> -> memref<100xi32, #tpu.memory_space<vmem>>
    %dma_start3A_12 = arith.constant 0 : i32
    %dma_start3A_13 = arith.constant 0 : i32
    %dma_start3A_14 = tpu.memref_slice %arg2[%dma_start3A_12, %dma_start3A_13] : memref<10000x128xf32, #tpu.memory_space<hbm>> -> memref<10000x128xf32, #tpu.memory_space<hbm>>
    tpu.enqueue_indirect_dma source(%dma_start3A_14 : memref<10000x128xf32, #tpu.memory_space<hbm>>) target(%dma_start3A_8 : memref<100x128xf32, #tpu.memory_space<vmem>>) offsets(%dma_start3A_11 : memref<100xi32, #tpu.memory_space<vmem>>) semaphore(%arg9 : memref<!tpu.dma_semaphore, #tpu.memory_space<semaphore_mem>>)
    "tpu.region"() ({
      %run_scoped3A = tpu.sem_alloc : memref<!tpu.dma_semaphore, #tpu.memory_space<semaphore_mem>>
      %dma_start3A_33 = arith.constant 0 : i32
      %dma_start3A_34 = tpu.memref_slice %arg8[%mul3A_2, %dma_start3A_33] : memref<10240x128xf32, #tpu.memory_space<vmem_shared>> -> memref<640x128xf32, #tpu.memory_space<vmem_shared>>
      %dma_start3A_35 = arith.constant 0 : i32
      %dma_start3A_36 = tpu.memref_slice %arg4[%mul3A_2, %dma_start3A_35] : memref<10240x128xf32, #tpu.memory_space<hbm>> -> memref<640x128xf32, #tpu.memory_space<hbm>>
      tpu.enqueue_dma source(%dma_start3A_36 : memref<640x128xf32, #tpu.memory_space<hbm>>) target(%dma_start3A_34 : memref<640x128xf32, #tpu.memory_space<vmem_shared>>) target_semaphore(%run_scoped3A : memref<!tpu.dma_semaphore, #tpu.memory_space<semaphore_mem>>)
      %dma_wait3A_37 = arith.constant 0 : i32
      %dma_wait3A_38 = tpu.memref_slice %arg8[%mul3A_2, %dma_wait3A_37] : memref<10240x128xf32, #tpu.memory_space<vmem_shared>> -> memref<640x128xf32, #tpu.memory_space<vmem_shared>>
      %dma_wait3A_39 = arith.constant 0 : i32
      %dma_wait3A_40 = tpu.memref_slice %arg4[%mul3A_2, %dma_wait3A_39] : memref<10240x128xf32, #tpu.memory_space<hbm>> -> memref<640x128xf32, #tpu.memory_space<hbm>>
      tpu.wait_dma2 semaphore(%run_scoped3A : memref<!tpu.dma_semaphore, #tpu.memory_space<semaphore_mem>>) src(%dma_wait3A_40 : memref<640x128xf32, #tpu.memory_space<hbm>>) dst(%dma_wait3A_38 : memref<640x128xf32, #tpu.memory_space<vmem_shared>>)
      tpu.yield
    }) : () -> ()
    %barrier3A = arith.constant 0 : index
    tpu.barrier barrier_id(%barrier3A)
    %scan3A = arith.constant 0 : i32
    %scan3A_15 = arith.constant 0 : i32
    %scan3A_16 = arith.constant 50 : i32
    %scan3A_17 = arith.addi %scan3A_15, %scan3A_16 : i32
    %scan3A_18 = arith.constant 1 : i32
    scf.for %scan3A_33 = %scan3A_15 to %scan3A_17 step %scan3A_18  : i32 {
      %mul3A_34 = arith.constant 2 : i32
      %mul3A_35 = arith.muli %scan3A_33, %mul3A_34 : i32
      %add3A_36 = arith.constant 0 : i32
      %add3A_37 = arith.addi %mul3A_35, %add3A_36 : i32
      %add3A_38 = arith.constant 1 : i32
      %add3A_39 = arith.addi %add3A_37, %add3A_38 : i32
      %rem3A = arith.constant 100 : i32
      %rem3A_40 = arith.remsi %add3A_39, %rem3A : i32
      %dma_start3A_41 = arith.constant 0 : i32
      %dma_start3A_42 = arith.constant 1 : i32
      %dma_start3A_43 = arith.constant 0 : i32
      %dma_start3A_44 = arith.constant 0 : i32
      %dma_start3A_45 = tpu.memref_slice %arg7[%dma_start3A_42, %dma_start3A_43, %dma_start3A_44] : memref<2x100x128xf32, #tpu.memory_space<vmem>> -> memref<1x100x128xf32, #tpu.memory_space<vmem>>
      %dma_start3A_46 = tpu.memref_squeeze %dma_start3A_45 : memref<1x100x128xf32, #tpu.memory_space<vmem>> -> memref<100x128xf32, #tpu.memory_space<vmem>>
      %dma_start3A_47 = arith.constant 0 : i32
      %dma_start3A_48 = tpu.memref_slice %arg6[%dma_start3A_41, %rem3A_40, %dma_start3A_47] : memref<2x100x100xi32, #tpu.memory_space<vmem>> -> memref<1x1x100xi32, #tpu.memory_space<vmem>>
      %dma_start3A_49 = tpu.memref_squeeze %dma_start3A_48 : memref<1x1x100xi32, #tpu.memory_space<vmem>> -> memref<100xi32, #tpu.memory_space<vmem>>
      %dma_start3A_50 = arith.constant 0 : i32
      %dma_start3A_51 = arith.constant 0 : i32
      %dma_start3A_52 = tpu.memref_slice %arg2[%dma_start3A_50, %dma_start3A_51] : memref<10000x128xf32, #tpu.memory_space<hbm>> -> memref<10000x128xf32, #tpu.memory_space<hbm>>
      tpu.enqueue_indirect_dma source(%dma_start3A_52 : memref<10000x128xf32, #tpu.memory_space<hbm>>) target(%dma_start3A_46 : memref<100x128xf32, #tpu.memory_space<vmem>>) offsets(%dma_start3A_49 : memref<100xi32, #tpu.memory_space<vmem>>) semaphore(%arg9 : memref<!tpu.dma_semaphore, #tpu.memory_space<semaphore_mem>>)
      %dma_wait3A_53 = arith.constant 0 : i32
      %dma_wait3A_54 = arith.constant 0 : i32
      %dma_wait3A_55 = arith.constant 0 : i32
      %dma_wait3A_56 = arith.constant 0 : i32
      %dma_wait3A_57 = tpu.memref_slice %arg7[%dma_wait3A_54, %dma_wait3A_55, %dma_wait3A_56] : memref<2x100x128xf32, #tpu.memory_space<vmem>> -> memref<1x100x128xf32, #tpu.memory_space<vmem>>
      %dma_wait3A_58 = tpu.memref_squeeze %dma_wait3A_57 : memref<1x100x128xf32, #tpu.memory_space<vmem>> -> memref<100x128xf32, #tpu.memory_space<vmem>>
      %dma_wait3A_59 = arith.constant 0 : i32
      %dma_wait3A_60 = tpu.memref_slice %arg6[%dma_wait3A_53, %add3A_37, %dma_wait3A_59] : memref<2x100x100xi32, #tpu.memory_space<vmem>> -> memref<1x1x100xi32, #tpu.memory_space<vmem>>
      %dma_wait3A_61 = tpu.memref_squeeze %dma_wait3A_60 : memref<1x1x100xi32, #tpu.memory_space<vmem>> -> memref<100xi32, #tpu.memory_space<vmem>>
      %dma_wait3A_62 = arith.constant 0 : i32
      %dma_wait3A_63 = arith.constant 0 : i32
      %dma_wait3A_64 = tpu.memref_slice %arg2[%dma_wait3A_62, %dma_wait3A_63] : memref<10000x128xf32, #tpu.memory_space<hbm>> -> memref<10000x128xf32, #tpu.memory_space<hbm>>
      tpu.wait_indirect_dma semaphore(%arg9 : memref<!tpu.dma_semaphore, #tpu.memory_space<semaphore_mem>>) src(%dma_wait3A_64 : memref<10000x128xf32, #tpu.memory_space<hbm>>) dst(%dma_wait3A_58 : memref<100x128xf32, #tpu.memory_space<vmem>>)
      %run_scoped3A = arith.constant 0 : i32
      %run_scoped3A_65 = arith.constant 1 : i32
      "tpu.region"() ({
        %run_scoped3A_100 = tpu.sem_alloc : memref<!tpu.dma_semaphore, #tpu.memory_space<semaphore_mem>>
        %dma_start3A_101 = arith.constant 0 : i32
        %dma_start3A_102 = arith.constant 0 : i32
        %dma_start3A_103 = tpu.memref_slice %arg7[%run_scoped3A, %dma_start3A_101, %dma_start3A_102] : memref<2x100x128xf32, #tpu.memory_space<vmem>> -> memref<1x100x128xf32, #tpu.memory_space<vmem>>
        %dma_start3A_104 = tpu.memref_squeeze %dma_start3A_103 : memref<1x100x128xf32, #tpu.memory_space<vmem>> -> memref<100x128xf32, #tpu.memory_space<vmem>>
        %dma_start3A_105 = arith.constant 0 : i32
        %dma_start3A_106 = tpu.memref_slice %arg6[%run_scoped3A_65, %add3A_37, %dma_start3A_105] : memref<2x100x100xi32, #tpu.memory_space<vmem>> -> memref<1x1x100xi32, #tpu.memory_space<vmem>>
        %dma_start3A_107 = tpu.memref_squeeze %dma_start3A_106 : memref<1x1x100xi32, #tpu.memory_space<vmem>> -> memref<100xi32, #tpu.memory_space<vmem>>
        %dma_start3A_108 = arith.constant 0 : i32
        %dma_start3A_109 = arith.constant 0 : i32
        %dma_start3A_110 = tpu.memref_slice %arg8[%dma_start3A_108, %dma_start3A_109] : memref<10240x128xf32, #tpu.memory_space<vmem_shared>> -> memref<10240x128xf32, #tpu.memory_space<vmem_shared>>
        tpu.enqueue_indirect_dma source(%dma_start3A_104 : memref<100x128xf32, #tpu.memory_space<vmem>>) target(%dma_start3A_110 : memref<10240x128xf32, #tpu.memory_space<vmem_shared>>) offsets(%dma_start3A_107 : memref<100xi32, #tpu.memory_space<vmem>>) semaphore(%run_scoped3A_100 : memref<!tpu.dma_semaphore, #tpu.memory_space<semaphore_mem>>) {add = true}
        %dma_wait3A_111 = arith.constant 0 : i32
        %dma_wait3A_112 = arith.constant 0 : i32
        %dma_wait3A_113 = tpu.memref_slice %arg7[%run_scoped3A, %dma_wait3A_111, %dma_wait3A_112] : memref<2x100x128xf32, #tpu.memory_space<vmem>> -> memref<1x100x128xf32, #tpu.memory_space<vmem>>
        %dma_wait3A_114 = tpu.memref_squeeze %dma_wait3A_113 : memref<1x100x128xf32, #tpu.memory_space<vmem>> -> memref<100x128xf32, #tpu.memory_space<vmem>>
        %dma_wait3A_115 = arith.constant 0 : i32
        %dma_wait3A_116 = tpu.memref_slice %arg6[%run_scoped3A_65, %add3A_37, %dma_wait3A_115] : memref<2x100x100xi32, #tpu.memory_space<vmem>> -> memref<1x1x100xi32, #tpu.memory_space<vmem>>
        %dma_wait3A_117 = tpu.memref_squeeze %dma_wait3A_116 : memref<1x1x100xi32, #tpu.memory_space<vmem>> -> memref<100xi32, #tpu.memory_space<vmem>>
        %dma_wait3A_118 = arith.constant 0 : i32
        %dma_wait3A_119 = arith.constant 0 : i32
        %dma_wait3A_120 = tpu.memref_slice %arg8[%dma_wait3A_118, %dma_wait3A_119] : memref<10240x128xf32, #tpu.memory_space<vmem_shared>> -> memref<10240x128xf32, #tpu.memory_space<vmem_shared>>
        tpu.wait_indirect_dma semaphore(%run_scoped3A_100 : memref<!tpu.dma_semaphore, #tpu.memory_space<semaphore_mem>>) src(%dma_wait3A_114 : memref<100x128xf32, #tpu.memory_space<vmem>>) dst(%dma_wait3A_120 : memref<10240x128xf32, #tpu.memory_space<vmem_shared>>)
        tpu.yield
      }) : () -> ()
      %mul3A_66 = arith.constant 2 : i32
      %mul3A_67 = arith.muli %scan3A_33, %mul3A_66 : i32
      %add3A_68 = arith.constant 1 : i32
      %add3A_69 = arith.addi %mul3A_67, %add3A_68 : i32
      %add3A_70 = arith.constant 1 : i32
      %add3A_71 = arith.addi %add3A_69, %add3A_70 : i32
      %rem3A_72 = arith.constant 100 : i32
      %rem3A_73 = arith.remsi %add3A_71, %rem3A_72 : i32
      %dma_start3A_74 = arith.constant 0 : i32
      %dma_start3A_75 = arith.constant 0 : i32
      %dma_start3A_76 = arith.constant 0 : i32
      %dma_start3A_77 = arith.constant 0 : i32
      %dma_start3A_78 = tpu.memref_slice %arg7[%dma_start3A_75, %dma_start3A_76, %dma_start3A_77] : memref<2x100x128xf32, #tpu.memory_space<vmem>> -> memref<1x100x128xf32, #tpu.memory_space<vmem>>
      %dma_start3A_79 = tpu.memref_squeeze %dma_start3A_78 : memref<1x100x128xf32, #tpu.memory_space<vmem>> -> memref<100x128xf32, #tpu.memory_space<vmem>>
      %dma_start3A_80 = arith.constant 0 : i32
      %dma_start3A_81 = tpu.memref_slice %arg6[%dma_start3A_74, %rem3A_73, %dma_start3A_80] : memref<2x100x100xi32, #tpu.memory_space<vmem>> -> memref<1x1x100xi32, #tpu.memory_space<vmem>>
      %dma_start3A_82 = tpu.memref_squeeze %dma_start3A_81 : memref<1x1x100xi32, #tpu.memory_space<vmem>> -> memref<100xi32, #tpu.memory_space<vmem>>
      %dma_start3A_83 = arith.constant 0 : i32
      %dma_start3A_84 = arith.constant 0 : i32
      %dma_start3A_85 = tpu.memref_slice %arg2[%dma_start3A_83, %dma_start3A_84] : memref<10000x128xf32, #tpu.memory_space<hbm>> -> memref<10000x128xf32, #tpu.memory_space<hbm>>
      tpu.enqueue_indirect_dma source(%dma_start3A_85 : memref<10000x128xf32, #tpu.memory_space<hbm>>) target(%dma_start3A_79 : memref<100x128xf32, #tpu.memory_space<vmem>>) offsets(%dma_start3A_82 : memref<100xi32, #tpu.memory_space<vmem>>) semaphore(%arg9 : memref<!tpu.dma_semaphore, #tpu.memory_space<semaphore_mem>>)
      %dma_wait3A_86 = arith.constant 0 : i32
      %dma_wait3A_87 = arith.constant 1 : i32
      %dma_wait3A_88 = arith.constant 0 : i32
      %dma_wait3A_89 = arith.constant 0 : i32
      %dma_wait3A_90 = tpu.memref_slice %arg7[%dma_wait3A_87, %dma_wait3A_88, %dma_wait3A_89] : memref<2x100x128xf32, #tpu.memory_space<vmem>> -> memref<1x100x128xf32, #tpu.memory_space<vmem>>
      %dma_wait3A_91 = tpu.memref_squeeze %dma_wait3A_90 : memref<1x100x128xf32, #tpu.memory_space<vmem>> -> memref<100x128xf32, #tpu.memory_space<vmem>>
      %dma_wait3A_92 = arith.constant 0 : i32
      %dma_wait3A_93 = tpu.memref_slice %arg6[%dma_wait3A_86, %add3A_69, %dma_wait3A_92] : memref<2x100x100xi32, #tpu.memory_space<vmem>> -> memref<1x1x100xi32, #tpu.memory_space<vmem>>
      %dma_wait3A_94 = tpu.memref_squeeze %dma_wait3A_93 : memref<1x1x100xi32, #tpu.memory_space<vmem>> -> memref<100xi32, #tpu.memory_space<vmem>>
      %dma_wait3A_95 = arith.constant 0 : i32
      %dma_wait3A_96 = arith.constant 0 : i32
      %dma_wait3A_97 = tpu.memref_slice %arg2[%dma_wait3A_95, %dma_wait3A_96] : memref<10000x128xf32, #tpu.memory_space<hbm>> -> memref<10000x128xf32, #tpu.memory_space<hbm>>
      tpu.wait_indirect_dma semaphore(%arg9 : memref<!tpu.dma_semaphore, #tpu.memory_space<semaphore_mem>>) src(%dma_wait3A_97 : memref<10000x128xf32, #tpu.memory_space<hbm>>) dst(%dma_wait3A_91 : memref<100x128xf32, #tpu.memory_space<vmem>>)
      %run_scoped3A_98 = arith.constant 1 : i32
      %run_scoped3A_99 = arith.constant 1 : i32
      "tpu.region"() ({
        %run_scoped3A_100 = tpu.sem_alloc : memref<!tpu.dma_semaphore, #tpu.memory_space<semaphore_mem>>
        %dma_start3A_101 = arith.constant 0 : i32
        %dma_start3A_102 = arith.constant 0 : i32
        %dma_start3A_103 = tpu.memref_slice %arg7[%run_scoped3A_98, %dma_start3A_101, %dma_start3A_102] : memref<2x100x128xf32, #tpu.memory_space<vmem>> -> memref<1x100x128xf32, #tpu.memory_space<vmem>>
        %dma_start3A_104 = tpu.memref_squeeze %dma_start3A_103 : memref<1x100x128xf32, #tpu.memory_space<vmem>> -> memref<100x128xf32, #tpu.memory_space<vmem>>
        %dma_start3A_105 = arith.constant 0 : i32
        %dma_start3A_106 = tpu.memref_slice %arg6[%run_scoped3A_99, %add3A_69, %dma_start3A_105] : memref<2x100x100xi32, #tpu.memory_space<vmem>> -> memref<1x1x100xi32, #tpu.memory_space<vmem>>
        %dma_start3A_107 = tpu.memref_squeeze %dma_start3A_106 : memref<1x1x100xi32, #tpu.memory_space<vmem>> -> memref<100xi32, #tpu.memory_space<vmem>>
        %dma_start3A_108 = arith.constant 0 : i32
        %dma_start3A_109 = arith.constant 0 : i32
        %dma_start3A_110 = tpu.memref_slice %arg8[%dma_start3A_108, %dma_start3A_109] : memref<10240x128xf32, #tpu.memory_space<vmem_shared>> -> memref<10240x128xf32, #tpu.memory_space<vmem_shared>>
        tpu.enqueue_indirect_dma source(%dma_start3A_104 : memref<100x128xf32, #tpu.memory_space<vmem>>) target(%dma_start3A_110 : memref<10240x128xf32, #tpu.memory_space<vmem_shared>>) offsets(%dma_start3A_107 : memref<100xi32, #tpu.memory_space<vmem>>) semaphore(%run_scoped3A_100 : memref<!tpu.dma_semaphore, #tpu.memory_space<semaphore_mem>>) {add = true}
        %dma_wait3A_111 = arith.constant 0 : i32
        %dma_wait3A_112 = arith.constant 0 : i32
        %dma_wait3A_113 = tpu.memref_slice %arg7[%run_scoped3A_98, %dma_wait3A_111, %dma_wait3A_112] : memref<2x100x128xf32, #tpu.memory_space<vmem>> -> memref<1x100x128xf32, #tpu.memory_space<vmem>>
        %dma_wait3A_114 = tpu.memref_squeeze %dma_wait3A_113 : memref<1x100x128xf32, #tpu.memory_space<vmem>> -> memref<100x128xf32, #tpu.memory_space<vmem>>
        %dma_wait3A_115 = arith.constant 0 : i32
        %dma_wait3A_116 = tpu.memref_slice %arg6[%run_scoped3A_99, %add3A_69, %dma_wait3A_115] : memref<2x100x100xi32, #tpu.memory_space<vmem>> -> memref<1x1x100xi32, #tpu.memory_space<vmem>>
        %dma_wait3A_117 = tpu.memref_squeeze %dma_wait3A_116 : memref<1x1x100xi32, #tpu.memory_space<vmem>> -> memref<100xi32, #tpu.memory_space<vmem>>
        %dma_wait3A_118 = arith.constant 0 : i32
        %dma_wait3A_119 = arith.constant 0 : i32
        %dma_wait3A_120 = tpu.memref_slice %arg8[%dma_wait3A_118, %dma_wait3A_119] : memref<10240x128xf32, #tpu.memory_space<vmem_shared>> -> memref<10240x128xf32, #tpu.memory_space<vmem_shared>>
        tpu.wait_indirect_dma semaphore(%run_scoped3A_100 : memref<!tpu.dma_semaphore, #tpu.memory_space<semaphore_mem>>) src(%dma_wait3A_114 : memref<100x128xf32, #tpu.memory_space<vmem>>) dst(%dma_wait3A_120 : memref<10240x128xf32, #tpu.memory_space<vmem_shared>>)
        tpu.yield
      }) : () -> ()
    }
    %scan3A_19 = arith.constant 50 : i32
    %dma_wait3A = arith.constant 0 : i32
    %dma_wait3A_20 = arith.constant 0 : i32
    %dma_wait3A_21 = arith.constant 0 : i32
    %dma_wait3A_22 = arith.constant 0 : i32
    %dma_wait3A_23 = arith.constant 0 : i32
    %dma_wait3A_24 = tpu.memref_slice %arg7[%dma_wait3A_21, %dma_wait3A_22, %dma_wait3A_23] : memref<2x100x128xf32, #tpu.memory_space<vmem>> -> memref<1x100x128xf32, #tpu.memory_space<vmem>>
    %dma_wait3A_25 = tpu.memref_squeeze %dma_wait3A_24 : memref<1x100x128xf32, #tpu.memory_space<vmem>> -> memref<100x128xf32, #tpu.memory_space<vmem>>
    %dma_wait3A_26 = arith.constant 0 : i32
    %dma_wait3A_27 = tpu.memref_slice %arg6[%dma_wait3A, %dma_wait3A_20, %dma_wait3A_26] : memref<2x100x100xi32, #tpu.memory_space<vmem>> -> memref<1x1x100xi32, #tpu.memory_space<vmem>>
    %dma_wait3A_28 = tpu.memref_squeeze %dma_wait3A_27 : memref<1x1x100xi32, #tpu.memory_space<vmem>> -> memref<100xi32, #tpu.memory_space<vmem>>
    %dma_wait3A_29 = arith.constant 0 : i32
    %dma_wait3A_30 = arith.constant 0 : i32
    %dma_wait3A_31 = tpu.memref_slice %arg2[%dma_wait3A_29, %dma_wait3A_30] : memref<10000x128xf32, #tpu.memory_space<hbm>> -> memref<10000x128xf32, #tpu.memory_space<hbm>>
    tpu.wait_indirect_dma semaphore(%arg9 : memref<!tpu.dma_semaphore, #tpu.memory_space<semaphore_mem>>) src(%dma_wait3A_31 : memref<10000x128xf32, #tpu.memory_space<hbm>>) dst(%dma_wait3A_25 : memref<100x128xf32, #tpu.memory_space<vmem>>)
    %barrier3A_32 = arith.constant 0 : index
    tpu.barrier barrier_id(%barrier3A_32)
    "tpu.region"() ({
      %run_scoped3A = tpu.sem_alloc : memref<!tpu.dma_semaphore, #tpu.memory_space<semaphore_mem>>
      %dma_start3A_33 = arith.constant 0 : i32
      %dma_start3A_34 = tpu.memref_slice %arg5[%arg0, %mul3A_2, %dma_start3A_33] : memref<2x10240x128xf32, #tpu.memory_space<hbm>> -> memref<1x640x128xf32, #tpu.memory_space<hbm>>
      %dma_start3A_35 = tpu.memref_squeeze %dma_start3A_34 : memref<1x640x128xf32, #tpu.memory_space<hbm>> -> memref<640x128xf32, #tpu.memory_space<hbm>>
      %dma_start3A_36 = arith.constant 0 : i32
      %dma_start3A_37 = tpu.memref_slice %arg8[%mul3A_2, %dma_start3A_36] : memref<10240x128xf32, #tpu.memory_space<vmem_shared>> -> memref<640x128xf32, #tpu.memory_space<vmem_shared>>
      tpu.enqueue_dma source(%dma_start3A_37 : memref<640x128xf32, #tpu.memory_space<vmem_shared>>) target(%dma_start3A_35 : memref<640x128xf32, #tpu.memory_space<hbm>>) target_semaphore(%run_scoped3A : memref<!tpu.dma_semaphore, #tpu.memory_space<semaphore_mem>>)
      %dma_wait3A_38 = arith.constant 0 : i32
      %dma_wait3A_39 = tpu.memref_slice %arg5[%arg0, %mul3A_2, %dma_wait3A_38] : memref<2x10240x128xf32, #tpu.memory_space<hbm>> -> memref<1x640x128xf32, #tpu.memory_space<hbm>>
      %dma_wait3A_40 = tpu.memref_squeeze %dma_wait3A_39 : memref<1x640x128xf32, #tpu.memory_space<hbm>> -> memref<640x128xf32, #tpu.memory_space<hbm>>
      %dma_wait3A_41 = arith.constant 0 : i32
      %dma_wait3A_42 = tpu.memref_slice %arg8[%mul3A_2, %dma_wait3A_41] : memref<10240x128xf32, #tpu.memory_space<vmem_shared>> -> memref<640x128xf32, #tpu.memory_space<vmem_shared>>
      tpu.wait_dma2 semaphore(%run_scoped3A : memref<!tpu.dma_semaphore, #tpu.memory_space<semaphore_mem>>) src(%dma_wait3A_42 : memref<640x128xf32, #tpu.memory_space<vmem_shared>>) dst(%dma_wait3A_40 : memref<640x128xf32, #tpu.memory_space<hbm>>)
      tpu.yield
    }) : () -> ()
    return
  }
}

#map = affine_map<(d0, d1) -> (0, 0)>
#map1 = affine_map<(d0, d1) -> (0, 0, 0, 0)>
#map2 = affine_map<(d0, d1) -> (0, 0, 0)>
module attributes {stable_mosaic.version = 14 : i64} {
  func.func @_pass(%arg0: i32, %arg1: i32, %arg2: memref<10000x112xf32, #tpu.memory_space<hbm>>, %arg3: memref<32x2x100x100xi32, #tpu.memory_space<hbm>>, %arg4: memref<10240x112xf32, #tpu.memory_space<hbm>>, %arg5: memref<2x10240x112xf32, #tpu.memory_space<hbm>>, %arg6: memref<2x100x100xi32, #tpu.memory_space<vmem>>, %arg7: memref<2x100x112xf32, #tpu.memory_space<vmem>>, %arg8: memref<10240x112xf32, #tpu.memory_space<vmem_shared>>, %arg9: memref<!tpu.dma_semaphore, #tpu.memory_space<semaphore_mem>>) attributes {dimension_semantics = [#tpu.dimension_semantics<core_parallel>, #tpu.dimension_semantics<subcore_parallel>], iteration_bounds = array<i64: 2, 16>, scalar_prefetch = 0 : i64, scratch_operands = 4 : i64, tpu.core_type = #tpu.core_type<sc_vector_subcore>, window_params = [{transform_indices = #map}, {transform_indices = #map1}, {transform_indices = #map}, {transform_indices = #map2}]} {
    %mul3A = arith.constant 2 : i32
    %mul3A_0 = arith.muli %arg1, %mul3A : i32
    %add3A = arith.addi %mul3A_0, %arg0 : i32
    %mul3A_1 = arith.constant 640 : i32
    %mul3A_2 = arith.muli %arg1, %mul3A_1 : i32
    "tpu.region"() ({
      %run_scoped3A = tpu.sem_alloc : memref<!tpu.dma_semaphore, #tpu.memory_space<semaphore_mem>>
      %dma_start3A_33 = arith.constant 0 : i32
      %dma_start3A_34 = arith.constant 0 : i32
      %dma_start3A_35 = arith.constant 0 : i32
      %dma_start3A_36 = tpu.memref_slice %arg3[%add3A, %dma_start3A_33, %dma_start3A_34, %dma_start3A_35] : memref<32x2x100x100xi32, #tpu.memory_space<hbm>> -> memref<1x2x100x100xi32, #tpu.memory_space<hbm>>
      %dma_start3A_37 = tpu.memref_squeeze %dma_start3A_36 : memref<1x2x100x100xi32, #tpu.memory_space<hbm>> -> memref<2x100x100xi32, #tpu.memory_space<hbm>>
      %dma_start3A_38 = arith.constant 0 : i32
      %dma_start3A_39 = arith.constant 0 : i32
      %dma_start3A_40 = arith.constant 0 : i32
      %dma_start3A_41 = tpu.memref_slice %arg3[%add3A, %dma_start3A_38, %dma_start3A_39, %dma_start3A_40] : memref<32x2x100x100xi32, #tpu.memory_space<hbm>> -> memref<1x2x100x100xi32, #tpu.memory_space<hbm>>
      %dma_start3A_42 = tpu.memref_squeeze %dma_start3A_41 : memref<1x2x100x100xi32, #tpu.memory_space<hbm>> -> memref<2x100x100xi32, #tpu.memory_space<hbm>>
      tpu.enqueue_dma source(%dma_start3A_42 : memref<2x100x100xi32, #tpu.memory_space<hbm>>) target(%arg6 : memref<2x100x100xi32, #tpu.memory_space<vmem>>) target_semaphore(%run_scoped3A : memref<!tpu.dma_semaphore, #tpu.memory_space<semaphore_mem>>)
      %dma_wait3A_43 = arith.constant 0 : i32
      %dma_wait3A_44 = arith.constant 0 : i32
      %dma_wait3A_45 = arith.constant 0 : i32
      %dma_wait3A_46 = tpu.memref_slice %arg3[%add3A, %dma_wait3A_43, %dma_wait3A_44, %dma_wait3A_45] : memref<32x2x100x100xi32, #tpu.memory_space<hbm>> -> memref<1x2x100x100xi32, #tpu.memory_space<hbm>>
      %dma_wait3A_47 = tpu.memref_squeeze %dma_wait3A_46 : memref<1x2x100x100xi32, #tpu.memory_space<hbm>> -> memref<2x100x100xi32, #tpu.memory_space<hbm>>
      %dma_wait3A_48 = arith.constant 0 : i32
      %dma_wait3A_49 = arith.constant 0 : i32
      %dma_wait3A_50 = arith.constant 0 : i32
      %dma_wait3A_51 = tpu.memref_slice %arg3[%add3A, %dma_wait3A_48, %dma_wait3A_49, %dma_wait3A_50] : memref<32x2x100x100xi32, #tpu.memory_space<hbm>> -> memref<1x2x100x100xi32, #tpu.memory_space<hbm>>
      %dma_wait3A_52 = tpu.memref_squeeze %dma_wait3A_51 : memref<1x2x100x100xi32, #tpu.memory_space<hbm>> -> memref<2x100x100xi32, #tpu.memory_space<hbm>>
      tpu.wait_dma2 semaphore(%run_scoped3A : memref<!tpu.dma_semaphore, #tpu.memory_space<semaphore_mem>>) src(%dma_wait3A_52 : memref<2x100x100xi32, #tpu.memory_space<hbm>>) dst(%arg6 : memref<2x100x100xi32, #tpu.memory_space<vmem>>)
      tpu.yield
    }) : () -> ()
    %dma_start3A = arith.constant 0 : i32
    %dma_start3A_3 = arith.constant 0 : i32
    %dma_start3A_4 = arith.constant 0 : i32
    %dma_start3A_5 = arith.constant 0 : i32
    %dma_start3A_6 = arith.constant 0 : i32
    %dma_start3A_7 = tpu.memref_slice %arg7[%dma_start3A_4, %dma_start3A_5, %dma_start3A_6] : memref<2x100x112xf32, #tpu.memory_space<vmem>> -> memref<1x100x112xf32, #tpu.memory_space<vmem>>
    %dma_start3A_8 = tpu.memref_squeeze %dma_start3A_7 : memref<1x100x112xf32, #tpu.memory_space<vmem>> -> memref<100x112xf32, #tpu.memory_space<vmem>>
    %dma_start3A_9 = arith.constant 0 : i32
    %dma_start3A_10 = tpu.memref_slice %arg6[%dma_start3A, %dma_start3A_3, %dma_start3A_9] : memref<2x100x100xi32, #tpu.memory_space<vmem>> -> memref<1x1x100xi32, #tpu.memory_space<vmem>>
    %dma_start3A_11 = tpu.memref_squeeze %dma_start3A_10 : memref<1x1x100xi32, #tpu.memory_space<vmem>> -> memref<100xi32, #tpu.memory_space<vmem>>
    %dma_start3A_12 = arith.constant 0 : i32
    %dma_start3A_13 = arith.constant 0 : i32
    %dma_start3A_14 = tpu.memref_slice %arg2[%dma_start3A_12, %dma_start3A_13] : memref<10000x112xf32, #tpu.memory_space<hbm>> -> memref<10000x112xf32, #tpu.memory_space<hbm>>
    tpu.enqueue_indirect_dma source(%dma_start3A_14 : memref<10000x112xf32, #tpu.memory_space<hbm>>) target(%dma_start3A_8 : memref<100x112xf32, #tpu.memory_space<vmem>>) offsets(%dma_start3A_11 : memref<100xi32, #tpu.memory_space<vmem>>) semaphore(%arg9 : memref<!tpu.dma_semaphore, #tpu.memory_space<semaphore_mem>>)
    "tpu.region"() ({
      %run_scoped3A = tpu.sem_alloc : memref<!tpu.dma_semaphore, #tpu.memory_space<semaphore_mem>>
      %dma_start3A_33 = arith.constant 0 : i32
      %dma_start3A_34 = tpu.memref_slice %arg8[%mul3A_2, %dma_start3A_33] : memref<10240x112xf32, #tpu.memory_space<vmem_shared>> -> memref<640x112xf32, #tpu.memory_space<vmem_shared>>
      %dma_start3A_35 = arith.constant 0 : i32
      %dma_start3A_36 = tpu.memref_slice %arg4[%mul3A_2, %dma_start3A_35] : memref<10240x112xf32, #tpu.memory_space<hbm>> -> memref<640x112xf32, #tpu.memory_space<hbm>>
      tpu.enqueue_dma source(%dma_start3A_36 : memref<640x112xf32, #tpu.memory_space<hbm>>) target(%dma_start3A_34 : memref<640x112xf32, #tpu.memory_space<vmem_shared>>) target_semaphore(%run_scoped3A : memref<!tpu.dma_semaphore, #tpu.memory_space<semaphore_mem>>)
      %dma_wait3A_37 = arith.constant 0 : i32
      %dma_wait3A_38 = tpu.memref_slice %arg8[%mul3A_2, %dma_wait3A_37] : memref<10240x112xf32, #tpu.memory_space<vmem_shared>> -> memref<640x112xf32, #tpu.memory_space<vmem_shared>>
      %dma_wait3A_39 = arith.constant 0 : i32
      %dma_wait3A_40 = tpu.memref_slice %arg4[%mul3A_2, %dma_wait3A_39] : memref<10240x112xf32, #tpu.memory_space<hbm>> -> memref<640x112xf32, #tpu.memory_space<hbm>>
      tpu.wait_dma2 semaphore(%run_scoped3A : memref<!tpu.dma_semaphore, #tpu.memory_space<semaphore_mem>>) src(%dma_wait3A_40 : memref<640x112xf32, #tpu.memory_space<hbm>>) dst(%dma_wait3A_38 : memref<640x112xf32, #tpu.memory_space<vmem_shared>>)
      tpu.yield
    }) : () -> ()
    %barrier3A = arith.constant 0 : index
    tpu.barrier barrier_id(%barrier3A)
    %scan3A = arith.constant 0 : i32
    %scan3A_15 = arith.constant 0 : i32
    %scan3A_16 = arith.constant 50 : i32
    %scan3A_17 = arith.addi %scan3A_15, %scan3A_16 : i32
    %scan3A_18 = arith.constant 1 : i32
    scf.for %scan3A_33 = %scan3A_15 to %scan3A_17 step %scan3A_18  : i32 {
      %mul3A_34 = arith.constant 2 : i32
      %mul3A_35 = arith.muli %scan3A_33, %mul3A_34 : i32
      %add3A_36 = arith.constant 0 : i32
      %add3A_37 = arith.addi %mul3A_35, %add3A_36 : i32
      %add3A_38 = arith.constant 1 : i32
      %add3A_39 = arith.addi %add3A_37, %add3A_38 : i32
      %rem3A = arith.constant 100 : i32
      %rem3A_40 = arith.remsi %add3A_39, %rem3A : i32
      %dma_start3A_41 = arith.constant 0 : i32
      %dma_start3A_42 = arith.constant 1 : i32
      %dma_start3A_43 = arith.constant 0 : i32
      %dma_start3A_44 = arith.constant 0 : i32
      %dma_start3A_45 = tpu.memref_slice %arg7[%dma_start3A_42, %dma_start3A_43, %dma_start3A_44] : memref<2x100x112xf32, #tpu.memory_space<vmem>> -> memref<1x100x112xf32, #tpu.memory_space<vmem>>
      %dma_start3A_46 = tpu.memref_squeeze %dma_start3A_45 : memref<1x100x112xf32, #tpu.memory_space<vmem>> -> memref<100x112xf32, #tpu.memory_space<vmem>>
      %dma_start3A_47 = arith.constant 0 : i32
      %dma_start3A_48 = tpu.memref_slice %arg6[%dma_start3A_41, %rem3A_40, %dma_start3A_47] : memref<2x100x100xi32, #tpu.memory_space<vmem>> -> memref<1x1x100xi32, #tpu.memory_space<vmem>>
      %dma_start3A_49 = tpu.memref_squeeze %dma_start3A_48 : memref<1x1x100xi32, #tpu.memory_space<vmem>> -> memref<100xi32, #tpu.memory_space<vmem>>
      %dma_start3A_50 = arith.constant 0 : i32
      %dma_start3A_51 = arith.constant 0 : i32
      %dma_start3A_52 = tpu.memref_slice %arg2[%dma_start3A_50, %dma_start3A_51] : memref<10000x112xf32, #tpu.memory_space<hbm>> -> memref<10000x112xf32, #tpu.memory_space<hbm>>
      tpu.enqueue_indirect_dma source(%dma_start3A_52 : memref<10000x112xf32, #tpu.memory_space<hbm>>) target(%dma_start3A_46 : memref<100x112xf32, #tpu.memory_space<vmem>>) offsets(%dma_start3A_49 : memref<100xi32, #tpu.memory_space<vmem>>) semaphore(%arg9 : memref<!tpu.dma_semaphore, #tpu.memory_space<semaphore_mem>>)
      %dma_wait3A_53 = arith.constant 0 : i32
      %dma_wait3A_54 = arith.constant 0 : i32
      %dma_wait3A_55 = arith.constant 0 : i32
      %dma_wait3A_56 = arith.constant 0 : i32
      %dma_wait3A_57 = tpu.memref_slice %arg7[%dma_wait3A_54, %dma_wait3A_55, %dma_wait3A_56] : memref<2x100x112xf32, #tpu.memory_space<vmem>> -> memref<1x100x112xf32, #tpu.memory_space<vmem>>
      %dma_wait3A_58 = tpu.memref_squeeze %dma_wait3A_57 : memref<1x100x112xf32, #tpu.memory_space<vmem>> -> memref<100x112xf32, #tpu.memory_space<vmem>>
      %dma_wait3A_59 = arith.constant 0 : i32
      %dma_wait3A_60 = tpu.memref_slice %arg6[%dma_wait3A_53, %add3A_37, %dma_wait3A_59] : memref<2x100x100xi32, #tpu.memory_space<vmem>> -> memref<1x1x100xi32, #tpu.memory_space<vmem>>
      %dma_wait3A_61 = tpu.memref_squeeze %dma_wait3A_60 : memref<1x1x100xi32, #tpu.memory_space<vmem>> -> memref<100xi32, #tpu.memory_space<vmem>>
      %dma_wait3A_62 = arith.constant 0 : i32
      %dma_wait3A_63 = arith.constant 0 : i32
      %dma_wait3A_64 = tpu.memref_slice %arg2[%dma_wait3A_62, %dma_wait3A_63] : memref<10000x112xf32, #tpu.memory_space<hbm>> -> memref<10000x112xf32, #tpu.memory_space<hbm>>
      tpu.wait_indirect_dma semaphore(%arg9 : memref<!tpu.dma_semaphore, #tpu.memory_space<semaphore_mem>>) src(%dma_wait3A_64 : memref<10000x112xf32, #tpu.memory_space<hbm>>) dst(%dma_wait3A_58 : memref<100x112xf32, #tpu.memory_space<vmem>>)
      %run_scoped3A = arith.constant 0 : i32
      %run_scoped3A_65 = arith.constant 1 : i32
      "tpu.region"() ({
        %run_scoped3A_100 = tpu.sem_alloc : memref<!tpu.dma_semaphore, #tpu.memory_space<semaphore_mem>>
        %dma_start3A_101 = arith.constant 0 : i32
        %dma_start3A_102 = arith.constant 0 : i32
        %dma_start3A_103 = tpu.memref_slice %arg7[%run_scoped3A, %dma_start3A_101, %dma_start3A_102] : memref<2x100x112xf32, #tpu.memory_space<vmem>> -> memref<1x100x112xf32, #tpu.memory_space<vmem>>
        %dma_start3A_104 = tpu.memref_squeeze %dma_start3A_103 : memref<1x100x112xf32, #tpu.memory_space<vmem>> -> memref<100x112xf32, #tpu.memory_space<vmem>>
        %dma_start3A_105 = arith.constant 0 : i32
        %dma_start3A_106 = tpu.memref_slice %arg6[%run_scoped3A_65, %add3A_37, %dma_start3A_105] : memref<2x100x100xi32, #tpu.memory_space<vmem>> -> memref<1x1x100xi32, #tpu.memory_space<vmem>>
        %dma_start3A_107 = tpu.memref_squeeze %dma_start3A_106 : memref<1x1x100xi32, #tpu.memory_space<vmem>> -> memref<100xi32, #tpu.memory_space<vmem>>
        %dma_start3A_108 = arith.constant 0 : i32
        %dma_start3A_109 = arith.constant 0 : i32
        %dma_start3A_110 = tpu.memref_slice %arg8[%dma_start3A_108, %dma_start3A_109] : memref<10240x112xf32, #tpu.memory_space<vmem_shared>> -> memref<10240x112xf32, #tpu.memory_space<vmem_shared>>
        tpu.enqueue_indirect_dma source(%dma_start3A_104 : memref<100x112xf32, #tpu.memory_space<vmem>>) target(%dma_start3A_110 : memref<10240x112xf32, #tpu.memory_space<vmem_shared>>) offsets(%dma_start3A_107 : memref<100xi32, #tpu.memory_space<vmem>>) semaphore(%run_scoped3A_100 : memref<!tpu.dma_semaphore, #tpu.memory_space<semaphore_mem>>) {add = true}
        %dma_wait3A_111 = arith.constant 0 : i32
        %dma_wait3A_112 = arith.constant 0 : i32
        %dma_wait3A_113 = tpu.memref_slice %arg7[%run_scoped3A, %dma_wait3A_111, %dma_wait3A_112] : memref<2x100x112xf32, #tpu.memory_space<vmem>> -> memref<1x100x112xf32, #tpu.memory_space<vmem>>
        %dma_wait3A_114 = tpu.memref_squeeze %dma_wait3A_113 : memref<1x100x112xf32, #tpu.memory_space<vmem>> -> memref<100x112xf32, #tpu.memory_space<vmem>>
        %dma_wait3A_115 = arith.constant 0 : i32
        %dma_wait3A_116 = tpu.memref_slice %arg6[%run_scoped3A_65, %add3A_37, %dma_wait3A_115] : memref<2x100x100xi32, #tpu.memory_space<vmem>> -> memref<1x1x100xi32, #tpu.memory_space<vmem>>
        %dma_wait3A_117 = tpu.memref_squeeze %dma_wait3A_116 : memref<1x1x100xi32, #tpu.memory_space<vmem>> -> memref<100xi32, #tpu.memory_space<vmem>>
        %dma_wait3A_118 = arith.constant 0 : i32
        %dma_wait3A_119 = arith.constant 0 : i32
        %dma_wait3A_120 = tpu.memref_slice %arg8[%dma_wait3A_118, %dma_wait3A_119] : memref<10240x112xf32, #tpu.memory_space<vmem_shared>> -> memref<10240x112xf32, #tpu.memory_space<vmem_shared>>
        tpu.wait_indirect_dma semaphore(%run_scoped3A_100 : memref<!tpu.dma_semaphore, #tpu.memory_space<semaphore_mem>>) src(%dma_wait3A_114 : memref<100x112xf32, #tpu.memory_space<vmem>>) dst(%dma_wait3A_120 : memref<10240x112xf32, #tpu.memory_space<vmem_shared>>)
        tpu.yield
      }) : () -> ()
      %mul3A_66 = arith.constant 2 : i32
      %mul3A_67 = arith.muli %scan3A_33, %mul3A_66 : i32
      %add3A_68 = arith.constant 1 : i32
      %add3A_69 = arith.addi %mul3A_67, %add3A_68 : i32
      %add3A_70 = arith.constant 1 : i32
      %add3A_71 = arith.addi %add3A_69, %add3A_70 : i32
      %rem3A_72 = arith.constant 100 : i32
      %rem3A_73 = arith.remsi %add3A_71, %rem3A_72 : i32
      %dma_start3A_74 = arith.constant 0 : i32
      %dma_start3A_75 = arith.constant 0 : i32
      %dma_start3A_76 = arith.constant 0 : i32
      %dma_start3A_77 = arith.constant 0 : i32
      %dma_start3A_78 = tpu.memref_slice %arg7[%dma_start3A_75, %dma_start3A_76, %dma_start3A_77] : memref<2x100x112xf32, #tpu.memory_space<vmem>> -> memref<1x100x112xf32, #tpu.memory_space<vmem>>
      %dma_start3A_79 = tpu.memref_squeeze %dma_start3A_78 : memref<1x100x112xf32, #tpu.memory_space<vmem>> -> memref<100x112xf32, #tpu.memory_space<vmem>>
      %dma_start3A_80 = arith.constant 0 : i32
      %dma_start3A_81 = tpu.memref_slice %arg6[%dma_start3A_74, %rem3A_73, %dma_start3A_80] : memref<2x100x100xi32, #tpu.memory_space<vmem>> -> memref<1x1x100xi32, #tpu.memory_space<vmem>>
      %dma_start3A_82 = tpu.memref_squeeze %dma_start3A_81 : memref<1x1x100xi32, #tpu.memory_space<vmem>> -> memref<100xi32, #tpu.memory_space<vmem>>
      %dma_start3A_83 = arith.constant 0 : i32
      %dma_start3A_84 = arith.constant 0 : i32
      %dma_start3A_85 = tpu.memref_slice %arg2[%dma_start3A_83, %dma_start3A_84] : memref<10000x112xf32, #tpu.memory_space<hbm>> -> memref<10000x112xf32, #tpu.memory_space<hbm>>
      tpu.enqueue_indirect_dma source(%dma_start3A_85 : memref<10000x112xf32, #tpu.memory_space<hbm>>) target(%dma_start3A_79 : memref<100x112xf32, #tpu.memory_space<vmem>>) offsets(%dma_start3A_82 : memref<100xi32, #tpu.memory_space<vmem>>) semaphore(%arg9 : memref<!tpu.dma_semaphore, #tpu.memory_space<semaphore_mem>>)
      %dma_wait3A_86 = arith.constant 0 : i32
      %dma_wait3A_87 = arith.constant 1 : i32
      %dma_wait3A_88 = arith.constant 0 : i32
      %dma_wait3A_89 = arith.constant 0 : i32
      %dma_wait3A_90 = tpu.memref_slice %arg7[%dma_wait3A_87, %dma_wait3A_88, %dma_wait3A_89] : memref<2x100x112xf32, #tpu.memory_space<vmem>> -> memref<1x100x112xf32, #tpu.memory_space<vmem>>
      %dma_wait3A_91 = tpu.memref_squeeze %dma_wait3A_90 : memref<1x100x112xf32, #tpu.memory_space<vmem>> -> memref<100x112xf32, #tpu.memory_space<vmem>>
      %dma_wait3A_92 = arith.constant 0 : i32
      %dma_wait3A_93 = tpu.memref_slice %arg6[%dma_wait3A_86, %add3A_69, %dma_wait3A_92] : memref<2x100x100xi32, #tpu.memory_space<vmem>> -> memref<1x1x100xi32, #tpu.memory_space<vmem>>
      %dma_wait3A_94 = tpu.memref_squeeze %dma_wait3A_93 : memref<1x1x100xi32, #tpu.memory_space<vmem>> -> memref<100xi32, #tpu.memory_space<vmem>>
      %dma_wait3A_95 = arith.constant 0 : i32
      %dma_wait3A_96 = arith.constant 0 : i32
      %dma_wait3A_97 = tpu.memref_slice %arg2[%dma_wait3A_95, %dma_wait3A_96] : memref<10000x112xf32, #tpu.memory_space<hbm>> -> memref<10000x112xf32, #tpu.memory_space<hbm>>
      tpu.wait_indirect_dma semaphore(%arg9 : memref<!tpu.dma_semaphore, #tpu.memory_space<semaphore_mem>>) src(%dma_wait3A_97 : memref<10000x112xf32, #tpu.memory_space<hbm>>) dst(%dma_wait3A_91 : memref<100x112xf32, #tpu.memory_space<vmem>>)
      %run_scoped3A_98 = arith.constant 1 : i32
      %run_scoped3A_99 = arith.constant 1 : i32
      "tpu.region"() ({
        %run_scoped3A_100 = tpu.sem_alloc : memref<!tpu.dma_semaphore, #tpu.memory_space<semaphore_mem>>
        %dma_start3A_101 = arith.constant 0 : i32
        %dma_start3A_102 = arith.constant 0 : i32
        %dma_start3A_103 = tpu.memref_slice %arg7[%run_scoped3A_98, %dma_start3A_101, %dma_start3A_102] : memref<2x100x112xf32, #tpu.memory_space<vmem>> -> memref<1x100x112xf32, #tpu.memory_space<vmem>>
        %dma_start3A_104 = tpu.memref_squeeze %dma_start3A_103 : memref<1x100x112xf32, #tpu.memory_space<vmem>> -> memref<100x112xf32, #tpu.memory_space<vmem>>
        %dma_start3A_105 = arith.constant 0 : i32
        %dma_start3A_106 = tpu.memref_slice %arg6[%run_scoped3A_99, %add3A_69, %dma_start3A_105] : memref<2x100x100xi32, #tpu.memory_space<vmem>> -> memref<1x1x100xi32, #tpu.memory_space<vmem>>
        %dma_start3A_107 = tpu.memref_squeeze %dma_start3A_106 : memref<1x1x100xi32, #tpu.memory_space<vmem>> -> memref<100xi32, #tpu.memory_space<vmem>>
        %dma_start3A_108 = arith.constant 0 : i32
        %dma_start3A_109 = arith.constant 0 : i32
        %dma_start3A_110 = tpu.memref_slice %arg8[%dma_start3A_108, %dma_start3A_109] : memref<10240x112xf32, #tpu.memory_space<vmem_shared>> -> memref<10240x112xf32, #tpu.memory_space<vmem_shared>>
        tpu.enqueue_indirect_dma source(%dma_start3A_104 : memref<100x112xf32, #tpu.memory_space<vmem>>) target(%dma_start3A_110 : memref<10240x112xf32, #tpu.memory_space<vmem_shared>>) offsets(%dma_start3A_107 : memref<100xi32, #tpu.memory_space<vmem>>) semaphore(%run_scoped3A_100 : memref<!tpu.dma_semaphore, #tpu.memory_space<semaphore_mem>>) {add = true}
        %dma_wait3A_111 = arith.constant 0 : i32
        %dma_wait3A_112 = arith.constant 0 : i32
        %dma_wait3A_113 = tpu.memref_slice %arg7[%run_scoped3A_98, %dma_wait3A_111, %dma_wait3A_112] : memref<2x100x112xf32, #tpu.memory_space<vmem>> -> memref<1x100x112xf32, #tpu.memory_space<vmem>>
        %dma_wait3A_114 = tpu.memref_squeeze %dma_wait3A_113 : memref<1x100x112xf32, #tpu.memory_space<vmem>> -> memref<100x112xf32, #tpu.memory_space<vmem>>
        %dma_wait3A_115 = arith.constant 0 : i32
        %dma_wait3A_116 = tpu.memref_slice %arg6[%run_scoped3A_99, %add3A_69, %dma_wait3A_115] : memref<2x100x100xi32, #tpu.memory_space<vmem>> -> memref<1x1x100xi32, #tpu.memory_space<vmem>>
        %dma_wait3A_117 = tpu.memref_squeeze %dma_wait3A_116 : memref<1x1x100xi32, #tpu.memory_space<vmem>> -> memref<100xi32, #tpu.memory_space<vmem>>
        %dma_wait3A_118 = arith.constant 0 : i32
        %dma_wait3A_119 = arith.constant 0 : i32
        %dma_wait3A_120 = tpu.memref_slice %arg8[%dma_wait3A_118, %dma_wait3A_119] : memref<10240x112xf32, #tpu.memory_space<vmem_shared>> -> memref<10240x112xf32, #tpu.memory_space<vmem_shared>>
        tpu.wait_indirect_dma semaphore(%run_scoped3A_100 : memref<!tpu.dma_semaphore, #tpu.memory_space<semaphore_mem>>) src(%dma_wait3A_114 : memref<100x112xf32, #tpu.memory_space<vmem>>) dst(%dma_wait3A_120 : memref<10240x112xf32, #tpu.memory_space<vmem_shared>>)
        tpu.yield
      }) : () -> ()
    }
    %scan3A_19 = arith.constant 50 : i32
    %dma_wait3A = arith.constant 0 : i32
    %dma_wait3A_20 = arith.constant 0 : i32
    %dma_wait3A_21 = arith.constant 0 : i32
    %dma_wait3A_22 = arith.constant 0 : i32
    %dma_wait3A_23 = arith.constant 0 : i32
    %dma_wait3A_24 = tpu.memref_slice %arg7[%dma_wait3A_21, %dma_wait3A_22, %dma_wait3A_23] : memref<2x100x112xf32, #tpu.memory_space<vmem>> -> memref<1x100x112xf32, #tpu.memory_space<vmem>>
    %dma_wait3A_25 = tpu.memref_squeeze %dma_wait3A_24 : memref<1x100x112xf32, #tpu.memory_space<vmem>> -> memref<100x112xf32, #tpu.memory_space<vmem>>
    %dma_wait3A_26 = arith.constant 0 : i32
    %dma_wait3A_27 = tpu.memref_slice %arg6[%dma_wait3A, %dma_wait3A_20, %dma_wait3A_26] : memref<2x100x100xi32, #tpu.memory_space<vmem>> -> memref<1x1x100xi32, #tpu.memory_space<vmem>>
    %dma_wait3A_28 = tpu.memref_squeeze %dma_wait3A_27 : memref<1x1x100xi32, #tpu.memory_space<vmem>> -> memref<100xi32, #tpu.memory_space<vmem>>
    %dma_wait3A_29 = arith.constant 0 : i32
    %dma_wait3A_30 = arith.constant 0 : i32
    %dma_wait3A_31 = tpu.memref_slice %arg2[%dma_wait3A_29, %dma_wait3A_30] : memref<10000x112xf32, #tpu.memory_space<hbm>> -> memref<10000x112xf32, #tpu.memory_space<hbm>>
    tpu.wait_indirect_dma semaphore(%arg9 : memref<!tpu.dma_semaphore, #tpu.memory_space<semaphore_mem>>) src(%dma_wait3A_31 : memref<10000x112xf32, #tpu.memory_space<hbm>>) dst(%dma_wait3A_25 : memref<100x112xf32, #tpu.memory_space<vmem>>)
    %barrier3A_32 = arith.constant 0 : index
    tpu.barrier barrier_id(%barrier3A_32)
    "tpu.region"() ({
      %run_scoped3A = tpu.sem_alloc : memref<!tpu.dma_semaphore, #tpu.memory_space<semaphore_mem>>
      %dma_start3A_33 = arith.constant 0 : i32
      %dma_start3A_34 = tpu.memref_slice %arg5[%arg0, %mul3A_2, %dma_start3A_33] : memref<2x10240x112xf32, #tpu.memory_space<hbm>> -> memref<1x640x112xf32, #tpu.memory_space<hbm>>
      %dma_start3A_35 = tpu.memref_squeeze %dma_start3A_34 : memref<1x640x112xf32, #tpu.memory_space<hbm>> -> memref<640x112xf32, #tpu.memory_space<hbm>>
      %dma_start3A_36 = arith.constant 0 : i32
      %dma_start3A_37 = tpu.memref_slice %arg8[%mul3A_2, %dma_start3A_36] : memref<10240x112xf32, #tpu.memory_space<vmem_shared>> -> memref<640x112xf32, #tpu.memory_space<vmem_shared>>
      tpu.enqueue_dma source(%dma_start3A_37 : memref<640x112xf32, #tpu.memory_space<vmem_shared>>) target(%dma_start3A_35 : memref<640x112xf32, #tpu.memory_space<hbm>>) target_semaphore(%run_scoped3A : memref<!tpu.dma_semaphore, #tpu.memory_space<semaphore_mem>>)
      %dma_wait3A_38 = arith.constant 0 : i32
      %dma_wait3A_39 = tpu.memref_slice %arg5[%arg0, %mul3A_2, %dma_wait3A_38] : memref<2x10240x112xf32, #tpu.memory_space<hbm>> -> memref<1x640x112xf32, #tpu.memory_space<hbm>>
      %dma_wait3A_40 = tpu.memref_squeeze %dma_wait3A_39 : memref<1x640x112xf32, #tpu.memory_space<hbm>> -> memref<640x112xf32, #tpu.memory_space<hbm>>
      %dma_wait3A_41 = arith.constant 0 : i32
      %dma_wait3A_42 = tpu.memref_slice %arg8[%mul3A_2, %dma_wait3A_41] : memref<10240x112xf32, #tpu.memory_space<vmem_shared>> -> memref<640x112xf32, #tpu.memory_space<vmem_shared>>
      tpu.wait_dma2 semaphore(%run_scoped3A : memref<!tpu.dma_semaphore, #tpu.memory_space<semaphore_mem>>) src(%dma_wait3A_42 : memref<640x112xf32, #tpu.memory_space<vmem_shared>>) dst(%dma_wait3A_40 : memref<640x112xf32, #tpu.memory_space<hbm>>)
      tpu.yield
    }) : () -> ()
    return
  }
}

module attributes {stable_mosaic.version = 14 : i64} {
  func.func @_tc1_body(%arg0: memref<10000x128xf32, #tpu.memory_space<vmem>>, %arg1: memref<128x128xf32, #tpu.memory_space<vmem>>, %arg2: memref<32x10000xf32, #tpu.memory_space<vmem>>, %arg3: memref<10000x128xf32, #tpu.memory_space<vmem>>) attributes {dimension_semantics = [], scalar_prefetch = 0 : i64, scratch_operands = 0 : i64, tpu.core_type = #tpu.core_type<tc>} {
    %get3A = arith.constant 0 : index
    %get3A_0 = arith.constant 0 : index
    %get3A_1 = vector.load %arg2[%get3A, %get3A_0] : memref<32x10000xf32, #tpu.memory_space<vmem>>, vector<32x10000xf32>
    %reduce_sum3A = arith.constant dense<0.000000e+00> : vector<10000xf32>
    %reduce_sum3A_2 = vector.multi_reduction <add>, %get3A_1, %reduce_sum3A [0] : vector<32x10000xf32> to vector<10000xf32>
    %add3A = arith.constant 1.000000e+00 : f32
    %add3A_3 = vector.broadcast %add3A : f32 to vector<10000xf32>
    %add3A_4 = arith.addf %reduce_sum3A_2, %add3A_3 : vector<10000xf32>
    %rsqrt3A = math.rsqrt %add3A_4 : vector<10000xf32>
    %get3A_5 = arith.constant 0 : index
    %get3A_6 = arith.constant 0 : index
    %get3A_7 = vector.load %arg0[%get3A_5, %get3A_6] : memref<10000x128xf32, #tpu.memory_space<vmem>>, vector<10000x128xf32>
    %get3A_8 = arith.constant 0 : index
    %get3A_9 = arith.constant 0 : index
    %get3A_10 = vector.load %arg1[%get3A_8, %get3A_9] : memref<128x128xf32, #tpu.memory_space<vmem>>, vector<128x128xf32>
    %dot_general3A = arith.constant dense<0.000000e+00> : vector<10000x128xf32>
    %dot_general3A_11 = tpu.matmul %get3A_7, %get3A_10, %dot_general3A {dimension_numbers = #tpu.dot_dimension_numbers<[1], [0], [0], [1], [0, 0, 1, 1], [], []>, transpose_lhs_hint = false} : vector<10000x128xf32>, vector<128x128xf32>, vector<10000x128xf32> -> vector<10000x128xf32>
    %broadcast_in_dim3A = vector.shape_cast %rsqrt3A : vector<10000xf32> to vector<10000x1xf32>
    %mul3A = vector.broadcast %broadcast_in_dim3A : vector<10000x1xf32> to vector<10000x128xf32>
    %mul3A_12 = arith.mulf %dot_general3A_11, %mul3A : vector<10000x128xf32>
    %swap3A = arith.constant 0 : index
    %swap3A_13 = arith.constant 0 : index
    %swap3A_14 = vector.load %arg3[%swap3A, %swap3A_13] : memref<10000x128xf32, #tpu.memory_space<vmem>>, vector<10000x128xf32>
    tpu.vector_store %arg3[%swap3A, %swap3A_13], %mul3A_12 {strides = array<i32>} : memref<10000x128xf32, #tpu.memory_space<vmem>>, vector<10000x128xf32>,
    return
  }
}

module attributes {stable_mosaic.version = 14 : i64} {
  func.func @_tc2_body(%arg0: memref<2x10240x128xf32, #tpu.memory_space<vmem>>, %arg1: memref<10000x128xf32, #tpu.memory_space<vmem>>, %arg2: memref<32x10000xf32, #tpu.memory_space<vmem>>, %arg3: memref<1x128xf32, #tpu.memory_space<vmem>>, %arg4: memref<128x112xf32, #tpu.memory_space<vmem>>, %arg5: memref<10000x112xf32, #tpu.memory_space<vmem>>) attributes {dimension_semantics = [], scalar_prefetch = 0 : i64, scratch_operands = 0 : i64, tpu.core_type = #tpu.core_type<tc>} {
    %get3A = arith.constant 0 : index
    %get3A_0 = arith.constant 0 : index
    %get3A_1 = vector.load %arg2[%get3A, %get3A_0] : memref<32x10000xf32, #tpu.memory_space<vmem>>, vector<32x10000xf32>
    %reduce_sum3A = arith.constant dense<0.000000e+00> : vector<10000xf32>
    %reduce_sum3A_2 = vector.multi_reduction <add>, %get3A_1, %reduce_sum3A [0] : vector<32x10000xf32> to vector<10000xf32>
    %add3A = arith.constant 1.000000e+00 : f32
    %add3A_3 = vector.broadcast %add3A : f32 to vector<10000xf32>
    %add3A_4 = arith.addf %reduce_sum3A_2, %add3A_3 : vector<10000xf32>
    %rsqrt3A = math.rsqrt %add3A_4 : vector<10000xf32>
    %get3A_5 = arith.constant 0 : index
    %get3A_6 = arith.constant 0 : index
    %get3A_7 = arith.constant 0 : index
    %get3A_8 = vector.load %arg0[%get3A_5, %get3A_6, %get3A_7] : memref<2x10240x128xf32, #tpu.memory_space<vmem>>, vector<1x10000x128xf32>
    %get3A_9 = vector.shape_cast %get3A_8 : vector<1x10000x128xf32> to vector<10000x128xf32>
    %get3A_10 = arith.constant 1 : index
    %get3A_11 = arith.constant 0 : index
    %get3A_12 = arith.constant 0 : index
    %get3A_13 = vector.load %arg0[%get3A_10, %get3A_11, %get3A_12] : memref<2x10240x128xf32, #tpu.memory_space<vmem>>, vector<1x10000x128xf32>
    %get3A_14 = vector.shape_cast %get3A_13 : vector<1x10000x128xf32> to vector<10000x128xf32>
    %add3A_15 = arith.addf %get3A_9, %get3A_14 : vector<10000x128xf32>
    %get3A_16 = arith.constant 0 : index
    %get3A_17 = arith.constant 0 : index
    %get3A_18 = vector.load %arg1[%get3A_16, %get3A_17] : memref<10000x128xf32, #tpu.memory_space<vmem>>, vector<10000x128xf32>
    %add3A_19 = arith.addf %add3A_15, %get3A_18 : vector<10000x128xf32>
    %broadcast_in_dim3A = vector.shape_cast %rsqrt3A : vector<10000xf32> to vector<10000x1xf32>
    %mul3A = vector.broadcast %broadcast_in_dim3A : vector<10000x1xf32> to vector<10000x128xf32>
    %mul3A_20 = arith.mulf %add3A_19, %mul3A : vector<10000x128xf32>
    %get3A_21 = arith.constant 0 : index
    %get3A_22 = arith.constant 0 : index
    %get3A_23 = vector.load %arg3[%get3A_21, %get3A_22] : memref<1x128xf32, #tpu.memory_space<vmem>>, vector<1x128xf32>
    %add3A_24 = vector.broadcast %get3A_23 : vector<1x128xf32> to vector<10000x128xf32>
    %add3A_25 = arith.addf %mul3A_20, %add3A_24 : vector<10000x128xf32>
    %max3A = arith.constant 0.000000e+00 : f32
    %max3A_26 = vector.broadcast %max3A : f32 to vector<10000x128xf32>
    %max3A_27 = arith.maximumf %add3A_25, %max3A_26 : vector<10000x128xf32>
    %get3A_28 = arith.constant 0 : index
    %get3A_29 = arith.constant 0 : index
    %get3A_30 = vector.load %arg4[%get3A_28, %get3A_29] : memref<128x112xf32, #tpu.memory_space<vmem>>, vector<128x112xf32>
    %dot_general3A = arith.constant dense<0.000000e+00> : vector<10000x112xf32>
    %dot_general3A_31 = tpu.matmul %max3A_27, %get3A_30, %dot_general3A {dimension_numbers = #tpu.dot_dimension_numbers<[1], [0], [0], [1], [0, 0, 1, 1], [], []>, transpose_lhs_hint = false} : vector<10000x128xf32>, vector<128x112xf32>, vector<10000x112xf32> -> vector<10000x112xf32>
    %broadcast_in_dim3A_32 = vector.shape_cast %rsqrt3A : vector<10000xf32> to vector<10000x1xf32>
    %mul3A_33 = vector.broadcast %broadcast_in_dim3A_32 : vector<10000x1xf32> to vector<10000x112xf32>
    %mul3A_34 = arith.mulf %dot_general3A_31, %mul3A_33 : vector<10000x112xf32>
    %swap3A = arith.constant 0 : index
    %swap3A_35 = arith.constant 0 : index
    %swap3A_36 = vector.load %arg5[%swap3A, %swap3A_35] : memref<10000x112xf32, #tpu.memory_space<vmem>>, vector<10000x112xf32>
    tpu.vector_store %arg5[%swap3A, %swap3A_35], %mul3A_34 {strides = array<i32>} : memref<10000x112xf32, #tpu.memory_space<vmem>>, vector<10000x112xf32>,
    return
  }
}

module attributes {stable_mosaic.version = 14 : i64} {
  func.func @_tc3_body(%arg0: memref<2x10240x112xf32, #tpu.memory_space<vmem>>, %arg1: memref<10000x112xf32, #tpu.memory_space<vmem>>, %arg2: memref<32x10000xf32, #tpu.memory_space<vmem>>, %arg3: memref<1x100xf32, #tpu.memory_space<vmem>>, %arg4: memref<10000x100xf32, #tpu.memory_space<vmem>>) attributes {dimension_semantics = [], scalar_prefetch = 0 : i64, scratch_operands = 0 : i64, tpu.core_type = #tpu.core_type<tc>} {
    %get3A = arith.constant 0 : index
    %get3A_0 = arith.constant 0 : index
    %get3A_1 = vector.load %arg2[%get3A, %get3A_0] : memref<32x10000xf32, #tpu.memory_space<vmem>>, vector<32x10000xf32>
    %reduce_sum3A = arith.constant dense<0.000000e+00> : vector<10000xf32>
    %reduce_sum3A_2 = vector.multi_reduction <add>, %get3A_1, %reduce_sum3A [0] : vector<32x10000xf32> to vector<10000xf32>
    %add3A = arith.constant 1.000000e+00 : f32
    %add3A_3 = vector.broadcast %add3A : f32 to vector<10000xf32>
    %add3A_4 = arith.addf %reduce_sum3A_2, %add3A_3 : vector<10000xf32>
    %rsqrt3A = math.rsqrt %add3A_4 : vector<10000xf32>
    %get3A_5 = arith.constant 0 : index
    %get3A_6 = arith.constant 0 : index
    %get3A_7 = arith.constant 0 : index
    %get3A_8 = vector.load %arg0[%get3A_5, %get3A_6, %get3A_7] : memref<2x10240x112xf32, #tpu.memory_space<vmem>>, vector<1x10000x100xf32>
    %get3A_9 = vector.shape_cast %get3A_8 : vector<1x10000x100xf32> to vector<10000x100xf32>
    %get3A_10 = arith.constant 1 : index
    %get3A_11 = arith.constant 0 : index
    %get3A_12 = arith.constant 0 : index
    %get3A_13 = vector.load %arg0[%get3A_10, %get3A_11, %get3A_12] : memref<2x10240x112xf32, #tpu.memory_space<vmem>>, vector<1x10000x100xf32>
    %get3A_14 = vector.shape_cast %get3A_13 : vector<1x10000x100xf32> to vector<10000x100xf32>
    %add3A_15 = arith.addf %get3A_9, %get3A_14 : vector<10000x100xf32>
    %get3A_16 = arith.constant 0 : index
    %get3A_17 = arith.constant 0 : index
    %get3A_18 = vector.load %arg1[%get3A_16, %get3A_17] : memref<10000x112xf32, #tpu.memory_space<vmem>>, vector<10000x100xf32>
    %add3A_19 = arith.addf %add3A_15, %get3A_18 : vector<10000x100xf32>
    %broadcast_in_dim3A = vector.shape_cast %rsqrt3A : vector<10000xf32> to vector<10000x1xf32>
    %mul3A = vector.broadcast %broadcast_in_dim3A : vector<10000x1xf32> to vector<10000x100xf32>
    %mul3A_20 = arith.mulf %add3A_19, %mul3A : vector<10000x100xf32>
    %get3A_21 = arith.constant 0 : index
    %get3A_22 = arith.constant 0 : index
    %get3A_23 = vector.load %arg3[%get3A_21, %get3A_22] : memref<1x100xf32, #tpu.memory_space<vmem>>, vector<1x100xf32>
    %add3A_24 = vector.broadcast %get3A_23 : vector<1x100xf32> to vector<10000x100xf32>
    %add3A_25 = arith.addf %mul3A_20, %add3A_24 : vector<10000x100xf32>
    %swap3A = arith.constant 0 : index
    %swap3A_26 = arith.constant 0 : index
    %swap3A_27 = vector.load %arg4[%swap3A, %swap3A_26] : memref<10000x100xf32, #tpu.memory_space<vmem>>, vector<10000x100xf32>
    tpu.vector_store %arg4[%swap3A, %swap3A_26], %add3A_25 {strides = array<i32>} : memref<10000x100xf32, #tpu.memory_space<vmem>>, vector<10000x100xf32>,
    return
  }
}

</mosaic_0001>

<sc_bundles>
// kernel: kernel.11.cloned.1.call-start
scs
__scs_entry_jumppad:
0x0: {  	(pc) =	sbr.rel $0x88, $3  }
0x1: {  	(tag) =	ssettag $0x0;
	lr =	simm.s32 $0x1  }
0x2: {  	[smem:$0x3F9B] =	sst lr;
	_ =	strace $0xD0000000  }
0x3: {  	_ = 	snop  }
0x4: {  	_ = 	snop  }
0x5: {  	_ = 	snop  }
0x6: {  	_ = 	snop  }
0x7: {  	_ = 	snop  }
__scs_overlays_trampoline_lowered:
0x8: {  	[smem:$0x3FAA] =	sst s0  }
0x9: {  	[smem:$0x3FAB] =	sst s1  }
0xa: {  	[smem:$0x3FAC] =	sst s2  }
0xb: {  	[smem:$0x3FAD] =	sst s3  }
0xc: {  	[smem:$0x3FAE] =	sst s4  }
0xd: {  	[smem:$0x3FAF] =	sst s5  }
0xe: {  	[smem:$0x3FB0] =	sst s6  }
0xf: {  	[smem:$0x3FB1] =	sst s7  }
0x10: {  	[smem:$0x3FB2] =	sst s8  }
0x11: {  	[smem:$0x3FB3] =	sst s9;
	s0 =	simm.s32 @!p0 $0x0  }
0x12: {  	s1 =	sld [smem:$0x3F99];
	s0 =	simm.s32 @p0 $0x1  }
0x13: {  	[smem:$0x3FB4] =	sst s0;
	s0 =	simm.s32 @!p1 $0x0  }
0x14: {  	s2 =	sld [smem:$0x3F98];
	s0 =	simm.s32 @p1 $0x1  }
0x15: {  	[smem:$0x3FB5] =	sst s0;
	s0 =	simm.s32 @!p2 $0x0  }
0x16: {  	s3 =	sld [smem:$0x3FDB];
	s0 =	simm.s32 @p2 $0x1  }
0x17: {  	s4 =	simm.s32 $0x1BF5;
	[smem:$0x3FB7] =	sst s0  }
0x18: {  	s0 =	sld [smem:$0x3F9A];
	_ =	swait.ge [sflag:s4], $0x0  }
0x19: {  	s7 =	sld [smem:$0x3F9B]  }
0x1a: {  	s8 =	sadd.s32 $0xFFFFE003, lr  }
0x1b: {  	s9 =	sadd.s32 $0xFFFFFEF7, lr;
	s5 =	simm.s32 $0xFFFFFFFF;
	p2 =	slt.u32 s8, $0xFFFFF086  }
0x1c: {  	p1 =	slt.u32 s9, $0xF7A;
	s5 =	simm.s32 @!p2 $0x0  }
0x1d: {  	s5 =	simm.s32 @p1 $0x1;
	p0 =	seq.s32 s7, s2  }
0x1e: {  	s7 =	smul.u32 @!p0 $0xF7A, s2;
	p2 =	seq.s32 @!p0 s5, $0x0  }
0x1f: {  	s9 =	smul.u32 $0xF7A, s1;
	s8 =	simm.s32 @!p0 $0x1BF5;
	p2 =	por !p2, p0  }
0x20: {  	[sflag:s8] =	ssyncset.s32 @!p0 $0xFFFFF086;
	s6 =	sadd.s32 @!p0 s3, s7;
	s7 =	simm.s32 @!p0 $0x108  }
0x21: {  	s3 =	sadd.s32 s3, s9;
	s6 =	sadd.s32 @!p0 $0x88, s6;
	s7 =	simm.s32 @p2 $0x1082  }
0x22: {  	[simem:s7], [sflag:s8] =	dma.local @!p0 [hbm:s6], $0xF7A  }
0x23: {  	s9 =	sor.u32 $0xD0000000, s2;
	s6 =	simm.s32 $0x108;
	_ =	swait.ge @!p0 [sflag:s8], $0x0  }
0x24: {  	s3 =	sadd.s32 $0x88, s3;
	s6 =	simm.s32 @!p1 $0x1082;
	[sflag:s4] =	ssyncset.s32 $0xFFFFF086  }
0x25: {  	[simem:s6], [sflag:s4] =	dma.local [hbm:s3], $0xF7A  }
0x26: {  	[smem:$0x3F9B] =	sst s1;
	(tag) =	ssettag s2;
	_ =	strace s9  }
0x27: {  	s1 =	sld [smem:$0x3FAB]  }
0x28: {  	s2 =	sld [smem:$0x3FAC]  }
0x29: {  	s4 =	sld [smem:$0x3FAE]  }
0x2a: {  	p0 =	seq.s32 s5, $0x0;
	s5 =	sld [smem:$0x3FAF]  }
0x2b: {  	s6 =	sld [smem:$0x3FB0]  }
0x2c: {  	s7 =	sld [smem:$0x3FB1]  }
0x2d: {  	s3 =	simm.s32 $0x108;
	s8 =	sld [smem:$0x3FB2]  }
0x2e: {  	s3 =	simm.s32 @!p0 $0x1082;
	s9 =	sld [smem:$0x3FB3]  }
0x2f: {  	lr =	sadd.s32 s0, s3;
	s0 =	sld [smem:$0x3FAA]  }
0x30: {  	s3 =	sld [smem:$0x3FAD]  }
0x31: {  	[smem:$0x3FB6] =	sst s10  }
0x32: {  	s10 =	sld [smem:$0x3FB4];
	_ =	sdelay $0x3  }
0x33: {  	p0 =	seq.s32 s10, $0x1;
	s10 =	sld [smem:$0x3FB6];
	_ =	sdelay $0x3  }
0x34: {  	[smem:$0x3FB6] =	sst s10  }
0x35: {  	s10 =	sld [smem:$0x3FB5];
	_ =	sdelay $0x3  }
0x36: {  	p1 =	seq.s32 s10, $0x1;
	s10 =	sld [smem:$0x3FB6];
	_ =	sdelay $0x3  }
0x37: {  	[smem:$0x3FB6] =	sst s10  }
0x38: {  	s10 =	sld [smem:$0x3FB7]  }
0x39: {  	_ = 	snop;
	(pc) =	sbr.ind lr, $3  }
0x3a: {  	_ = 	snop  }
0x3b: {  	_ = 	snop  }
0x3c: {  	p2 =	seq.s32 s10, $0x1;
	s10 =	sld [smem:$0x3FB6]  }
0x3d: {  	_ =	shalt  }
0x3e: {  	_ =	shalt  }
0x3f: {  	_ =	shalt  }
0x40: {  	_ =	shalt  }
0x41: {  	_ =	shalt  }
0x42: {  	_ =	shalt  }
0x43: {  	_ =	shalt  }
0x44: {  	_ =	shalt  }
0x45: {  	_ =	shalt  }
0x46: {  	_ =	shalt  }
0x47: {  	_ =	shalt  }
0x48: {  	_ =	shalt  }
0x49: {  	_ =	shalt  }
0x4a: {  	_ =	shalt  }
0x4b: {  	_ =	shalt  }
0x4c: {  	_ =	shalt  }
0x4d: {  	_ =	shalt  }
0x4e: {  	_ =	shalt  }
0x4f: {  	_ =	shalt  }
0x50: {  	_ =	shalt  }
0x51: {  	_ =	shalt  }
0x52: {  	_ =	shalt  }
0x53: {  	_ =	shalt  }
0x54: {  	_ =	shalt  }
0x55: {  	_ =	shalt  }
0x56: {  	_ =	shalt  }
0x57: {  	_ =	shalt  }
0x58: {  	_ =	shalt  }
0x59: {  	_ =	shalt  }
0x5a: {  	_ =	shalt  }
0x5b: {  	_ =	shalt  }
0x5c: {  	_ =	shalt  }
0x5d: {  	_ =	shalt  }
0x5e: {  	_ =	shalt  }
0x5f: {  	_ =	shalt  }
0x60: {  	_ =	shalt  }
0x61: {  	_ =	shalt  }
0x62: {  	_ =	shalt  }
0x63: {  	_ =	shalt  }
0x64: {  	_ =	shalt  }
0x65: {  	_ =	shalt  }
0x66: {  	_ =	shalt  }
0x67: {  	_ =	shalt  }
0x68: {  	_ =	shalt  }
0x69: {  	_ =	shalt  }
0x6a: {  	_ =	shalt  }
0x6b: {  	_ =	shalt  }
0x6c: {  	_ =	shalt  }
0x6d: {  	_ =	shalt  }
0x6e: {  	_ =	shalt  }
0x6f: {  	_ =	shalt  }
0x70: {  	_ =	shalt  }
0x71: {  	_ =	shalt  }
0x72: {  	_ =	shalt  }
0x73: {  	_ =	shalt  }
0x74: {  	_ =	shalt  }
0x75: {  	_ =	shalt  }
0x76: {  	_ =	shalt  }
0x77: {  	_ =	shalt  }
0x78: {  	_ =	shalt  }
0x79: {  	_ =	shalt  }
0x7a: {  	_ =	shalt  }
0x7b: {  	_ =	shalt  }
0x7c: {  	_ =	shalt  }
0x7d: {  	_ =	shalt  }
0x7e: {  	_ =	shalt  }
0x7f: {  	_ =	shalt  }
0x80: {  	_ =	shalt  }
0x81: {  	_ =	shalt  }
0x82: {  	_ =	shalt  }
0x83: {  	_ =	shalt  }
0x84: {  	_ =	shalt  }
0x85: {  	_ =	shalt  }
0x86: {  	_ =	shalt  }
0x87: {  	_ =	shalt  }
.Lfunc_end0:
.L_simem_size_0:
called_computation.1_lowered:
.L_overlay_start_0:
0x88: {  	s2 =	sld [smem:$0x3FD9]  }
0x89: {  	s3 =	sld [smem:$0x3FFE];
	_ =	sdelay $0x1  }
0x8a: {  	s1 =	srdreg.scid  }
0x8b: {  	s0 =	sand.u32 $0x1, s1  }
0x8c: {  	s17 =	sshll.u32 s0, $0xA;
	s2 =	sadd.s32 s3, s2  }
0x8d: {  	s2 =	sadd.s32 s2, s17  }
0x8e: {  	[smem:$0x3FC2] =	sst s2  }
0x8f: {  	_ = 	snop  }
0x90: {  	s2 =	sld [smem:$0x3FD0];
	(tm) =	ssettm $0x1  }
0x91: {  	s18 =	sld [smem:$0x3FFB];
	_ =	sdelay $0x3  }
0x92: {  	_ =	strace s18  }
0x93: {  	s3 =	sld [smem:$0x3FFC];
	_ =	sdelay $0x3  }
0x94: {  	_ =	strace s3  }
0x95: {  	s3 =	sld [smem:$0x3FFD];
	_ =	sdelay $0x3  }
0x96: {  	_ =	strace s3  }
0x97: {  	_ =	strace $0x8FFFFFFF  }
0x98: {  	s19 =	sld [smem:$0x3FDB];
	_ =	sdelay $0x1  }
0x99: {  	s4 =	simm.s32 $_scs_section_size  }
0x9a: {  	s5 =	simm.s32 $_size__tile_overlayer_lowered;
	s6 =	simm.s32 $_tile_overlayer_lowered  }
0x9b: {  	s22 =	simm.s32 $0x1BFF;
	s21 =	sshll.u32 s6, $0x1;
	s3 =	sadd.s32 s4, s19  }
0x9c: {  	s7 =	simm.s32 $0x0;
	s20 =	sshll.u32 s5, $0x1;
	s5 =	sadd.s32 s21, s3  }
0x9d: {  	[timem:s7], [sflag:s22] =	dma.local [hbm:s5], s20  }
0x9e: {  	_ =	swait.ge [sflag:s22], s20  }
0x9f: {  	s4 =	ssub.s32 $0x0, s20;
	[sflag:s22] =	ssyncset.done $0x0  }
0xa0: {  	[sflag:s22] =	ssyncadd.s32 s4;
	_ =	sdelay $0x1  }
0xa1: {  	s23 =	simm.s32 $0x1B8B  }
0xa2: {  	_ =	swait.ge [sflag:s23], $0x1  }
0xa3: {  	[sflag:s23] =	ssyncset.done $0x0  }
0xa4: {  	s25 =	simm.s32 $0x1B8E;
	s24 =	sld [smem:$0x3FFE];
	[sflag:s23] =	ssyncadd.s32 $0xFFFFFFFF  }
0xa5: {  	s26 =	simm.s32 $execute0_lowered;
	[smem:$0x3FD2] =	sst s25  }
0xa6: {  	s5 =	sshll.u32 s26, $0x1;
	_ =	strace $0x80000049;
	[dreg:$0x1] =	wrdreg $0xFFFFFFFF  }
0xa7: {  	s28 =	simm.s32 $_size_execute0_lowered;
	s3 =	sadd.s32 s3, s5;
	[dreg:$0x0] =	wrdreg $0x0  }
0xa8: {  	s5 =	sshll.u32 s28, $0x1;
	[dreg:$0x2] =	wrdreg s3  }
0xa9: {  	[dreg:$0x3] =	wrdreg s5  }
0xaa: {  	[dreg:$0x4] =	wrdreg $0xC0  }
0xab: {  	_ =	task [dreg:s7], $0x5FFFF  }
0xac: {  	[dreg:$0x1] =	wrdreg $0xFFFFFFFF  }
0xad: {  	[dreg:$0x0] =	wrdreg $0x60  }
0xae: {  	[dreg:$0x2] =	wrdreg s24  }
0xaf: {  	[dreg:$0x3] =	wrdreg s2  }
0xb0: {  	[dreg:$0x4] =	wrdreg $0xB5400  }
0xb1: {  	[dreg:$0x5] =	wrdreg $0x9  }
0xb2: {  	_ =	task.clear_ibuf [dreg:s7], $0x6FFFF;
	_ =	strace $0x90000049  }
0xb3: {  	s29 =	simm.s32 $0x9;
	_ =	strace $0x8000004B  }
0xb4: {  	_ =	swait.ge [sflag:s29], $0x1  }
0xb5: {  	[sflag:s29] =	ssyncadd.s32 $0xFFFFFFFF  }
0xb6: {  	_ =	strace $0x9000004B  }
0xb7: {  	_ =	sfence  }
0xb8: {  	s30 =	sld [smem:$0x0];
	_ =	sdelay $0x2  }
0xb9: {  	s31 =	sshll.u32 s1, $0xD;
	s1 =	sshrl.u32 s1, $0x2  }
0xba: {  	s3 =	sand.u32 $0x4000, s31;
	s1 =	sadd.s32 s1, s30  }
0xbb: {  	s0 =	sor.u32 s3, s0;
	s1 =	sshll.u32 s1, $0x11  }
0xbc: {  	s0 =	sor.u32 s1, s0  }
0xbd: {  	s0 =	sadd.s32 $0x8F2B, s0  }
0xbe: {  	[sflag:s0] =	ssyncadd.remote.s32 $0x1  }
0xbf: {  	_ =	sfence.sel $0xFFFF  }
0xc0: {  	[dreg:$0x0] =	wrdreg $0xFFFFFFFF;
	(pc) =	sbr.abs _section_cstart, $3  }
0xc1: {  	[dreg:$0x1] =	wrdreg $0xFFFFFFFF  }
0xc2: {  	_ =	task.clear_ibuf [dreg:s7], $0x2FFFF;
	_ =	strace $0x9FFFFFFF  }
0xc3: {  	(tm) =	ssettm $0x7FFFFFFF  }
tec
execute0_lowered:
.L_overlay_start_1:
0x0: {  	(tag) =	ssettag $0x1  }
0x1: {  	s5 =	rddreg [dreg:$0x0]  }
0x2: {  	s6 =	rddreg [dreg:$0x1]  }
0x3: {  	s2 =	rddreg [dreg:$0x2]  }
0x4: {  	s0 =	rddreg [dreg:$0x3];
	s1 =	stileid.u32  }
0x5: {  	s4 =	srdreg.scid;
	s3 =	simm.s32 $0x0;
	s14 =	simm.s32 $0x8340  }
0x6: {  	s15 =	simm.s32 $0x1;
	s16 =	simm.s32 $0x2838;
	s17 =	simm.s32 $0x5070  }
0x7: {  	s18 =	simm.s32 $0x50D8;
	s19 =	simm.s32 $0x0;
	s7 =	smul.u32 $0x14000, s1  }
0x8: {  	s8 =	sand.u32 $0x1, s4;
	[smem:$0x7FF] =	sst s3;
	s4 =	sadd.s32 $0x2000, s5  }
0x9: {  	s10 =	sshll.u32 s1, $0x1;
	s12 =	sshll.u32 s1, $0x6;
	s9 =	smul.u32 $0x140000, s8  }
0xa: {  	_ =	strace $0x8000004A;
	s10 =	sor.u32 s8, s10;
	s8 =	ssub.s32 $0x2, s8  }
0xb: {  	s12 =	sor.u32 $0x1C02, s12;
	s11 =	sshrl.u32 s7, $0x3;
	s10 =	smul.u32 $0xA28, s10  }
0xc: {  	s31 =	sshrl.u32 s8, $0x1;
	s13 =	sadd.s32 s7, s2;
	s9 =	sadd.s32 s7, s9  }
0xd: {  	s11 =	sadd.s32 s11, s5;
	s8 =	ssub.s32 s8, s31;
	s9 =	sshrl.u32 s9, $0x3  }
0xe: {  	s13 =	sshrl.u32 s13, $0x3;
	s8 =	smax.u32 s8, $0x1;
	s9 =	sadd.s32 s9, s5  }
0xf: {  	s5 =	sadd.s32 s6, s10;
	s6 =	sadd.s32 $0x29200, s11;
	s10 =	simm.s32 $0x64  }
0x10: {  	s11 =	simm.s32 $0x5140;
	s7 =	sadd.s32 $0x51200, s9;
	s9 =	simm.s32 $0x2  }
.LBB2_1:
0x11: {  	[tilespmem:s3], [sflag:$0x2] =	stream.linear.gather [hbm4b:s5+s3], $0x5140, $0x38;
	[tilespmem:$0x1F540] =	vst v63  }
0x12: {  	_ =	swait.ge [sflag:s9], $0x5140  }
0x13: {  	[sflag:s9] =	ssyncset.done $0x0  }
0x14: {  	[sflag:s9] =	ssyncadd.s32 $0xFFFFAEC0  }
0x15: {  	[tilespmem:s11], [sflag:$0x1] =	stream.indirect.gather [hbm4b:s4+s10], $0x80, s3, s10, $0xb8;
	[tilespmem:$0x1F540] =	vst v63  }
0x16: {  	[spmem:s13], [sflag:s12] =	dma.local [hbm:s6], $0x2800  }
0x17: {  	_ =	swait.ge [sflag:s9], $0x2800  }
0x18: {  	[sflag:s9] =	ssyncset.done $0x0  }
0x19: {  	[sflag:s9] =	ssyncadd.s32 $0xFFFFD800  }
0x1a: {  	s20 =	simm.s32 $0x68;
	[bflag:$0x0] =	sbarrier.arrive $0xFFFF  }
0x1b: {  	[tilespmem:s14], [sflag:$0x1] =	stream.indirect.gather [hbm4b:s4+s10], $0x80, s20, s10, $0xb8;
	[tilespmem:$0x1F540] =	vst v63  }
0x1c: {  	_ =	swait.ge [sflag:s15], $0x3200  }
0x1d: {  	[sflag:s15] =	ssyncset.done $0x0  }
0x1e: {  	s29 =	simm.s32 $0x28A0;
	[sflag:s15] =	ssyncadd.s32 $0xFFFFCE00  }
0x1f: {  	[spmem:s2] =	stream.indirect.scatter.add.f32 [tilespmem:s11], [sflag:$0x2], $0x80, s29, s10, $0xb8;
	[tilespmem:$0x1F540] =	vst v63  }
0x20: {  	_ =	swait.ge [sflag:s9], $0x3200  }
0x21: {  	[sflag:s9] =	ssyncset.done $0x0  }
0x22: {  	s30 =	simm.s32 $0xD0;
	[sflag:s9] =	ssyncadd.s32 $0xFFFFCE00  }
0x23: {  	[tilespmem:s11], [sflag:$0x1] =	stream.indirect.gather [hbm4b:s4+s10], $0x80, s30, s10, $0xb8;
	[tilespmem:$0x1F540] =	vst v63  }
0x24: {  	_ =	swait.ge [sflag:s15], $0x3200  }
0x25: {  	[sflag:s15] =	ssyncset.done $0x0  }
0x26: {  	s31 =	simm.s32 $0x2908;
	[sflag:s15] =	ssyncadd.s32 $0xFFFFCE00  }
0x27: {  	[spmem:s2] =	stream.indirect.scatter.add.f32 [tilespmem:s14], [sflag:$0x2], $0x80, s31, s10, $0xb8;
	[tilespmem:$0x1F540] =	vst v63  }
0x28: {  	_ =	swait.ge [sflag:s9], $0x3200  }
0x29: {  	s21 =	simm.s32 $0x9C0;
	s20 =	simm.s32 $0x1A0;
	[sflag:s9] =	ssyncset.done $0x0  }
.LBB2_2:
0x2a: {  	s22 =	sadd.s32 $0xFFFFFF98, s20  }
0x2b: {  	[sflag:s9] =	ssyncadd.s32 $0xFFFFCE00;
	s23 =	smov.u32 s21;
	s24 =	sadd.s32 $0x340, s21  }
0x2c: {  	[tilespmem:s14], [sflag:$0x1] =	stream.indirect.gather [hbm4b:s4+s10], $0x80, s22, s10, $0xb8;
	[tilespmem:$0x1F540] =	vst v63  }
0x2d: {  	p0 =	sne.s32 s21, $0x9F40;
	_ =	swait.ge [sflag:s15], $0x3200  }
0x2e: {  	[sflag:s15] =	ssyncset.done $0x0  }
0x2f: {  	s21 =	sadd.s32 $0x27D0, s20;
	[sflag:s15] =	ssyncadd.s32 $0xFFFFCE00  }
0x30: {  	[spmem:s2] =	stream.indirect.scatter.add.f32 [tilespmem:s11], [sflag:$0x2], $0x80, s21, s10, $0xb8;
	[tilespmem:$0x1F540] =	vst v63  }
0x31: {  	_ =	swait.ge [sflag:s9], $0x3200  }
0x32: {  	[sflag:s9] =	ssyncset.done $0x0  }
0x33: {  	[sflag:s9] =	ssyncadd.s32 $0xFFFFCE00  }
0x34: {  	[tilespmem:s11], [sflag:$0x1] =	stream.indirect.gather [hbm4b:s4+s10], $0x80, s20, s10, $0xb8;
	[tilespmem:$0x1F540] =	vst v63  }
0x35: {  	_ =	swait.ge [sflag:s15], $0x3200  }
.Ltmp0:
0x36: {  	[sflag:s15] =	ssyncset.done $0x0;
	(pc) =	sbr.rel @p0 .LBB2_2-.Ltmp0, $4  }
0x37: {  	s20 =	sadd.s32 $0x2838, s20;
	[sflag:s15] =	ssyncadd.s32 $0xFFFFCE00  }
0x38: {  	[spmem:s2] =	stream.indirect.scatter.add.f32 [tilespmem:s14], [sflag:$0x2], $0x80, s20, s10, $0xb8;
	[tilespmem:$0x1F540] =	vst v63  }
0x39: {  	_ =	swait.ge [sflag:s9], $0x3200  }
0x3a: {  	s21 =	smov.u32 s24;
	s20 =	sshra.s32 s23, $0x2;
	[sflag:s9] =	ssyncset.done $0x0  }
0x3b: {  	s21 =	sadd.s32 $0xFFFFFF98, s20;
	[sflag:s9] =	ssyncadd.s32 $0xFFFFCE00  }
0x3c: {  	[tilespmem:s14], [sflag:$0x1] =	stream.indirect.gather [hbm4b:s4+s10], $0x80, s21, s10, $0xb8;
	[tilespmem:$0x1F540] =	vst v63  }
0x3d: {  	_ =	swait.ge [sflag:s15], $0x3200  }
0x3e: {  	[sflag:s15] =	ssyncset.done $0x0  }
0x3f: {  	s30 =	sadd.s32 $0x27D0, s20;
	[sflag:s15] =	ssyncadd.s32 $0xFFFFCE00  }
0x40: {  	[spmem:s2] =	stream.indirect.scatter.add.f32 [tilespmem:s11], [sflag:$0x2], $0x80, s30, s10, $0xb8;
	[tilespmem:$0x1F540] =	vst v63  }
0x41: {  	_ =	swait.ge [sflag:s9], $0x3200  }
0x42: {  	[sflag:s9] =	ssyncset.done $0x0  }
0x43: {  	[sflag:s9] =	ssyncadd.s32 $0xFFFFCE00  }
0x44: {  	[tilespmem:s11], [sflag:$0x1] =	stream.indirect.gather [hbm4b:s4+s10], $0x80, s20, s10, $0xb8;
	[tilespmem:$0x1F540] =	vst v63  }
0x45: {  	_ =	swait.ge [sflag:s15], $0x3200  }
0x46: {  	[sflag:s15] =	ssyncset.done $0x0  }
0x47: {  	s31 =	sadd.s32 $0x2838, s20;
	[sflag:s15] =	ssyncadd.s32 $0xFFFFCE00  }
0x48: {  	[spmem:s2] =	stream.indirect.scatter.add.f32 [tilespmem:s14], [sflag:$0x2], $0x80, s31, s10, $0xb8;
	[tilespmem:$0x1F540] =	vst v63  }
0x49: {  	_ =	swait.ge [sflag:s9], $0x3200  }
0x4a: {  	[sflag:s9] =	ssyncset.done $0x0  }
0x4b: {  	[sflag:s9] =	ssyncadd.s32 $0xFFFFCE00  }
0x4c: {  	[tilespmem:s14], [sflag:$0x1] =	stream.indirect.gather [hbm4b:s4+s10], $0x80, s16, s10, $0xb8;
	[tilespmem:$0x1F540] =	vst v63  }
0x4d: {  	_ =	swait.ge [sflag:s15], $0x3200  }
0x4e: {  	[sflag:s15] =	ssyncset.done $0x0  }
0x4f: {  	[sflag:s15] =	ssyncadd.s32 $0xFFFFCE00  }
0x50: {  	[spmem:s2] =	stream.indirect.scatter.add.f32 [tilespmem:s11], [sflag:$0x2], $0x80, s17, s10, $0xb8;
	[tilespmem:$0x1F540] =	vst v63  }
0x51: {  	_ =	swait.ge [sflag:s9], $0x3200  }
0x52: {  	[sflag:s9] =	ssyncset.done $0x0  }
0x53: {  	[sflag:s9] =	ssyncadd.s32 $0xFFFFCE00  }
0x54: {  	[tilespmem:s11], [sflag:$0x1] =	stream.indirect.gather [hbm4b:s4+s10], $0x80, s3, s10, $0xb8;
	[tilespmem:$0x1F540] =	vst v63  }
0x55: {  	_ =	swait.ge [sflag:s15], $0x3200  }
0x56: {  	[sflag:s15] =	ssyncset.done $0x0  }
0x57: {  	[sflag:s15] =	ssyncadd.s32 $0xFFFFCE00  }
0x58: {  	[spmem:s2] =	stream.indirect.scatter.add.f32 [tilespmem:s14], [sflag:$0x2], $0x80, s18, s10, $0xb8;
	[tilespmem:$0x1F540] =	vst v63  }
0x59: {  	_ =	swait.ge [sflag:s9], $0x3200  }
0x5a: {  	[sflag:s9] =	ssyncset.done $0x0  }
0x5b: {  	[sflag:s9] =	ssyncadd.s32 $0xFFFFCE00  }
0x5c: {  	_ =	swait.ge [sflag:s15], $0x3200  }
0x5d: {  	s19 =	sadd.s32 $0x1, s19;
	[sflag:s15] =	ssyncset.done $0x0  }
0x5e: {  	p0 =	sne.s32 s19, s8;
	[sflag:s15] =	ssyncadd.s32 $0xFFFFCE00  }
.Ltmp1:
0x5f: {  	[bflag:$0x0] =	sbarrier.arrive $0xFFFF;
	(pc) =	sbr.rel @p0 .LBB2_1-.Ltmp1, $4  }
0x60: {  	[hbm:s7], [sflag:s12] =	dma.local [spmem:s13], $0x2800  }
0x61: {  	_ =	swait.ge [sflag:s9], $0x2800  }
0x62: {  	[sflag:s9] =	ssyncset.done $0x0  }
0x63: {  	[sflag:s9] =	ssyncadd.s32 $0xFFFFD800  }
0x64: {  	_ =	sfence.sel $0x180000  }
0x65: {  	[bflag:$0x0] =	sbarrier.arrive $0xFFFF  }
0x66: {  	p0 =	sne.s32 s1, $0x0;
	_ =	strace $0x9000004A  }
0x67: {  	s0 =	sadd.s32 @!p0 $0x100000, s0;
	[bflag:$0x2] =	sbarrier.arrive $0xFFFF  }
0x68: {  	[sflag:s0] =	ssyncadd.tile.s32 @!p0 $0x1;
	_ =	shalt  }
.Lfunc_end2:
_tile_overlayer_lowered:
.L_overlay_start_2:
0x69: {  	(tag) =	ssettag $0x2  }
0x6a: {  	s0 =	rddreg [dreg:$0x0];
	s2 =	stileid.u32  }
0x6b: {  	s1 =	rddreg [dreg:$0x1];
	p0 =	sne.s32 s2, $0x0  }
0x6c: {  	s3 =	rddreg [dreg:$0x2];
	[bflag:$0x3] =	sbarrier.arrive $0xFFFF;
	s2 =	simm.s32 @!p0 $0x1C02  }
0x6d: {  	[timem:s3], [sflag:s2] =	dma.local @!p0 [hbm:s0], s1  }
0x6e: {  	s0 =	simm.s32 @!p0 $0x2  }
0x6f: {  	_ =	swait.ge @!p0 [sflag:s0], s1  }
0x70: {  	s1 =	ssub.s32 @!p0 $0x0, s1;
	[sflag:s0] =	ssyncset.done @!p0 $0x0  }
0x71: {  	[sflag:s0] =	ssyncadd.s32 @!p0 s1  }
0x72: {  	[bflag:$0x3] =	sbarrier.arrive $0xFFFF  }
0x73: {  	_ =	shalt  }

// kernel: kernel.14.cloned.1.call-start
scs
__scs_entry_jumppad:
0x0: {  	(pc) =	sbr.rel $0x88, $3  }
0x1: {  	(tag) =	ssettag $0x0;
	lr =	simm.s32 $0x1  }
0x2: {  	[smem:$0x3F9B] =	sst lr;
	_ =	strace $0xD0000000  }
0x3: {  	_ = 	snop  }
0x4: {  	_ = 	snop  }
0x5: {  	_ = 	snop  }
0x6: {  	_ = 	snop  }
0x7: {  	_ = 	snop  }
__scs_overlays_trampoline_lowered:
0x8: {  	[smem:$0x3FAA] =	sst s0  }
0x9: {  	[smem:$0x3FAB] =	sst s1  }
0xa: {  	[smem:$0x3FAC] =	sst s2  }
0xb: {  	[smem:$0x3FAD] =	sst s3  }
0xc: {  	[smem:$0x3FAE] =	sst s4  }
0xd: {  	[smem:$0x3FAF] =	sst s5  }
0xe: {  	[smem:$0x3FB0] =	sst s6  }
0xf: {  	[smem:$0x3FB1] =	sst s7  }
0x10: {  	[smem:$0x3FB2] =	sst s8  }
0x11: {  	[smem:$0x3FB3] =	sst s9;
	s0 =	simm.s32 @!p0 $0x0  }
0x12: {  	s1 =	sld [smem:$0x3F99];
	s0 =	simm.s32 @p0 $0x1  }
0x13: {  	[smem:$0x3FB4] =	sst s0;
	s0 =	simm.s32 @!p1 $0x0  }
0x14: {  	s2 =	sld [smem:$0x3F98];
	s0 =	simm.s32 @p1 $0x1  }
0x15: {  	[smem:$0x3FB5] =	sst s0;
	s0 =	simm.s32 @!p2 $0x0  }
0x16: {  	s3 =	sld [smem:$0x3FDB];
	s0 =	simm.s32 @p2 $0x1  }
0x17: {  	s4 =	simm.s32 $0x1BF5;
	[smem:$0x3FB7] =	sst s0  }
0x18: {  	s0 =	sld [smem:$0x3F9A];
	_ =	swait.ge [sflag:s4], $0x0  }
0x19: {  	s7 =	sld [smem:$0x3F9B]  }
0x1a: {  	s8 =	sadd.s32 $0xFFFFE003, lr  }
0x1b: {  	s9 =	sadd.s32 $0xFFFFFEF7, lr;
	s5 =	simm.s32 $0xFFFFFFFF;
	p2 =	slt.u32 s8, $0xFFFFF086  }
0x1c: {  	p1 =	slt.u32 s9, $0xF7A;
	s5 =	simm.s32 @!p2 $0x0  }
0x1d: {  	s5 =	simm.s32 @p1 $0x1;
	p0 =	seq.s32 s7, s2  }
0x1e: {  	s7 =	smul.u32 @!p0 $0xF7A, s2;
	p2 =	seq.s32 @!p0 s5, $0x0  }
0x1f: {  	s9 =	smul.u32 $0xF7A, s1;
	s8 =	simm.s32 @!p0 $0x1BF5;
	p2 =	por !p2, p0  }
0x20: {  	[sflag:s8] =	ssyncset.s32 @!p0 $0xFFFFF086;
	s6 =	sadd.s32 @!p0 s3, s7;
	s7 =	simm.s32 @!p0 $0x108  }
0x21: {  	s3 =	sadd.s32 s3, s9;
	s6 =	sadd.s32 @!p0 $0x88, s6;
	s7 =	simm.s32 @p2 $0x1082  }
0x22: {  	[simem:s7], [sflag:s8] =	dma.local @!p0 [hbm:s6], $0xF7A  }
0x23: {  	s9 =	sor.u32 $0xD0000000, s2;
	s6 =	simm.s32 $0x108;
	_ =	swait.ge @!p0 [sflag:s8], $0x0  }
0x24: {  	s3 =	sadd.s32 $0x88, s3;
	s6 =	simm.s32 @!p1 $0x1082;
	[sflag:s4] =	ssyncset.s32 $0xFFFFF086  }
0x25: {  	[simem:s6], [sflag:s4] =	dma.local [hbm:s3], $0xF7A  }
0x26: {  	[smem:$0x3F9B] =	sst s1;
	(tag) =	ssettag s2;
	_ =	strace s9  }
0x27: {  	s1 =	sld [smem:$0x3FAB]  }
0x28: {  	s2 =	sld [smem:$0x3FAC]  }
0x29: {  	s4 =	sld [smem:$0x3FAE]  }
0x2a: {  	p0 =	seq.s32 s5, $0x0;
	s5 =	sld [smem:$0x3FAF]  }
0x2b: {  	s6 =	sld [smem:$0x3FB0]  }
0x2c: {  	s7 =	sld [smem:$0x3FB1]  }
0x2d: {  	s3 =	simm.s32 $0x108;
	s8 =	sld [smem:$0x3FB2]  }
0x2e: {  	s3 =	simm.s32 @!p0 $0x1082;
	s9 =	sld [smem:$0x3FB3]  }
0x2f: {  	lr =	sadd.s32 s0, s3;
	s0 =	sld [smem:$0x3FAA]  }
0x30: {  	s3 =	sld [smem:$0x3FAD]  }
0x31: {  	[smem:$0x3FB6] =	sst s10  }
0x32: {  	s10 =	sld [smem:$0x3FB4];
	_ =	sdelay $0x3  }
0x33: {  	p0 =	seq.s32 s10, $0x1;
	s10 =	sld [smem:$0x3FB6];
	_ =	sdelay $0x3  }
0x34: {  	[smem:$0x3FB6] =	sst s10  }
0x35: {  	s10 =	sld [smem:$0x3FB5];
	_ =	sdelay $0x3  }
0x36: {  	p1 =	seq.s32 s10, $0x1;
	s10 =	sld [smem:$0x3FB6];
	_ =	sdelay $0x3  }
0x37: {  	[smem:$0x3FB6] =	sst s10  }
0x38: {  	s10 =	sld [smem:$0x3FB7]  }
0x39: {  	_ = 	snop;
	(pc) =	sbr.ind lr, $3  }
0x3a: {  	_ = 	snop  }
0x3b: {  	_ = 	snop  }
0x3c: {  	p2 =	seq.s32 s10, $0x1;
	s10 =	sld [smem:$0x3FB6]  }
0x3d: {  	_ =	shalt  }
0x3e: {  	_ =	shalt  }
0x3f: {  	_ =	shalt  }
0x40: {  	_ =	shalt  }
0x41: {  	_ =	shalt  }
0x42: {  	_ =	shalt  }
0x43: {  	_ =	shalt  }
0x44: {  	_ =	shalt  }
0x45: {  	_ =	shalt  }
0x46: {  	_ =	shalt  }
0x47: {  	_ =	shalt  }
0x48: {  	_ =	shalt  }
0x49: {  	_ =	shalt  }
0x4a: {  	_ =	shalt  }
0x4b: {  	_ =	shalt  }
0x4c: {  	_ =	shalt  }
0x4d: {  	_ =	shalt  }
0x4e: {  	_ =	shalt  }
0x4f: {  	_ =	shalt  }
0x50: {  	_ =	shalt  }
0x51: {  	_ =	shalt  }
0x52: {  	_ =	shalt  }
0x53: {  	_ =	shalt  }
0x54: {  	_ =	shalt  }
0x55: {  	_ =	shalt  }
0x56: {  	_ =	shalt  }
0x57: {  	_ =	shalt  }
0x58: {  	_ =	shalt  }
0x59: {  	_ =	shalt  }
0x5a: {  	_ =	shalt  }
0x5b: {  	_ =	shalt  }
0x5c: {  	_ =	shalt  }
0x5d: {  	_ =	shalt  }
0x5e: {  	_ =	shalt  }
0x5f: {  	_ =	shalt  }
0x60: {  	_ =	shalt  }
0x61: {  	_ =	shalt  }
0x62: {  	_ =	shalt  }
0x63: {  	_ =	shalt  }
0x64: {  	_ =	shalt  }
0x65: {  	_ =	shalt  }
0x66: {  	_ =	shalt  }
0x67: {  	_ =	shalt  }
0x68: {  	_ =	shalt  }
0x69: {  	_ =	shalt  }
0x6a: {  	_ =	shalt  }
0x6b: {  	_ =	shalt  }
0x6c: {  	_ =	shalt  }
0x6d: {  	_ =	shalt  }
0x6e: {  	_ =	shalt  }
0x6f: {  	_ =	shalt  }
0x70: {  	_ =	shalt  }
0x71: {  	_ =	shalt  }
0x72: {  	_ =	shalt  }
0x73: {  	_ =	shalt  }
0x74: {  	_ =	shalt  }
0x75: {  	_ =	shalt  }
0x76: {  	_ =	shalt  }
0x77: {  	_ =	shalt  }
0x78: {  	_ =	shalt  }
0x79: {  	_ =	shalt  }
0x7a: {  	_ =	shalt  }
0x7b: {  	_ =	shalt  }
0x7c: {  	_ =	shalt  }
0x7d: {  	_ =	shalt  }
0x7e: {  	_ =	shalt  }
0x7f: {  	_ =	shalt  }
0x80: {  	_ =	shalt  }
0x81: {  	_ =	shalt  }
0x82: {  	_ =	shalt  }
0x83: {  	_ =	shalt  }
0x84: {  	_ =	shalt  }
0x85: {  	_ =	shalt  }
0x86: {  	_ =	shalt  }
0x87: {  	_ =	shalt  }
.Lfunc_end0:
.L_simem_size_0:
called_computation.2_lowered:
.L_overlay_start_0:
0x88: {  	s2 =	sld [smem:$0x3FD9]  }
0x89: {  	s3 =	sld [smem:$0x3FFE];
	_ =	sdelay $0x1  }
0x8a: {  	s1 =	srdreg.scid  }
0x8b: {  	s0 =	sand.u32 $0x1, s1  }
0x8c: {  	s17 =	sshll.u32 s0, $0xA;
	s2 =	sadd.s32 s3, s2  }
0x8d: {  	s2 =	sadd.s32 s2, s17  }
0x8e: {  	[smem:$0x3FC2] =	sst s2  }
0x8f: {  	_ = 	snop  }
0x90: {  	s2 =	sld [smem:$0x3FD0];
	(tm) =	ssettm $0x1  }
0x91: {  	s18 =	sld [smem:$0x3FFB];
	_ =	sdelay $0x3  }
0x92: {  	_ =	strace s18  }
0x93: {  	s3 =	sld [smem:$0x3FFC];
	_ =	sdelay $0x3  }
0x94: {  	_ =	strace s3  }
0x95: {  	s3 =	sld [smem:$0x3FFD];
	_ =	sdelay $0x3  }
0x96: {  	_ =	strace s3  }
0x97: {  	_ =	strace $0x8FFFFFFF  }
0x98: {  	s19 =	sld [smem:$0x3FDB];
	_ =	sdelay $0x1  }
0x99: {  	s4 =	simm.s32 $_scs_section_size  }
0x9a: {  	s5 =	simm.s32 $_size__tile_overlayer_lowered;
	s6 =	simm.s32 $_tile_overlayer_lowered  }
0x9b: {  	s22 =	simm.s32 $0x1BFF;
	s21 =	sshll.u32 s6, $0x1;
	s3 =	sadd.s32 s4, s19  }
0x9c: {  	s7 =	simm.s32 $0x0;
	s20 =	sshll.u32 s5, $0x1;
	s5 =	sadd.s32 s21, s3  }
0x9d: {  	[timem:s7], [sflag:s22] =	dma.local [hbm:s5], s20  }
0x9e: {  	_ =	swait.ge [sflag:s22], s20  }
0x9f: {  	s4 =	ssub.s32 $0x0, s20;
	[sflag:s22] =	ssyncset.done $0x0  }
0xa0: {  	[sflag:s22] =	ssyncadd.s32 s4;
	_ =	sdelay $0x1  }
0xa1: {  	s23 =	simm.s32 $0x1B8B  }
0xa2: {  	_ =	swait.ge [sflag:s23], $0x1  }
0xa3: {  	[sflag:s23] =	ssyncset.done $0x0  }
0xa4: {  	s25 =	simm.s32 $0x1B8E;
	s24 =	sld [smem:$0x3FFE];
	[sflag:s23] =	ssyncadd.s32 $0xFFFFFFFF  }
0xa5: {  	s26 =	simm.s32 $execute0_lowered;
	[smem:$0x3FD2] =	sst s25  }
0xa6: {  	s5 =	sshll.u32 s26, $0x1;
	_ =	strace $0x8000004C;
	[dreg:$0x1] =	wrdreg $0xFFFFFFFF  }
0xa7: {  	s28 =	simm.s32 $_size_execute0_lowered;
	s3 =	sadd.s32 s3, s5;
	[dreg:$0x0] =	wrdreg $0x0  }
0xa8: {  	s5 =	sshll.u32 s28, $0x1;
	[dreg:$0x2] =	wrdreg s3  }
0xa9: {  	[dreg:$0x3] =	wrdreg s5  }
0xaa: {  	[dreg:$0x4] =	wrdreg $0xC0  }
0xab: {  	_ =	task [dreg:s7], $0x5FFFF  }
0xac: {  	[dreg:$0x1] =	wrdreg $0xFFFFFFFF  }
0xad: {  	[dreg:$0x0] =	wrdreg $0x60  }
0xae: {  	[dreg:$0x2] =	wrdreg s24  }
0xaf: {  	[dreg:$0x3] =	wrdreg s2  }
0xb0: {  	[dreg:$0x4] =	wrdreg $0xA8C00  }
0xb1: {  	[dreg:$0x5] =	wrdreg $0x9  }
0xb2: {  	_ =	task.clear_ibuf [dreg:s7], $0x6FFFF;
	_ =	strace $0x9000004C  }
0xb3: {  	s29 =	simm.s32 $0x9;
	_ =	strace $0x8000004E  }
0xb4: {  	_ =	swait.ge [sflag:s29], $0x1  }
0xb5: {  	[sflag:s29] =	ssyncadd.s32 $0xFFFFFFFF  }
0xb6: {  	_ =	strace $0x9000004E  }
0xb7: {  	_ =	sfence  }
0xb8: {  	s30 =	sld [smem:$0x0];
	_ =	sdelay $0x2  }
0xb9: {  	s31 =	sshll.u32 s1, $0xD;
	s1 =	sshrl.u32 s1, $0x2  }
0xba: {  	s3 =	sand.u32 $0x4000, s31;
	s1 =	sadd.s32 s1, s30  }
0xbb: {  	s0 =	sor.u32 s3, s0;
	s1 =	sshll.u32 s1, $0x11  }
0xbc: {  	s0 =	sor.u32 s1, s0  }
0xbd: {  	s0 =	sadd.s32 $0x8F2B, s0  }
0xbe: {  	[sflag:s0] =	ssyncadd.remote.s32 $0x1  }
0xbf: {  	_ =	sfence.sel $0xFFFF  }
0xc0: {  	[dreg:$0x0] =	wrdreg $0xFFFFFFFF;
	(pc) =	sbr.abs _section_cstart, $3  }
0xc1: {  	[dreg:$0x1] =	wrdreg $0xFFFFFFFF  }
0xc2: {  	_ =	task.clear_ibuf [dreg:s7], $0x2FFFF;
	_ =	strace $0x9FFFFFFF  }
0xc3: {  	(tm) =	ssettm $0x7FFFFFFF  }
tec
execute0_lowered:
.L_overlay_start_1:
0x0: {  	(tag) =	ssettag $0x1  }
0x1: {  	s5 =	rddreg [dreg:$0x0]  }
0x2: {  	s6 =	rddreg [dreg:$0x1]  }
0x3: {  	s2 =	rddreg [dreg:$0x2]  }
0x4: {  	s0 =	rddreg [dreg:$0x3];
	s1 =	stileid.u32  }
0x5: {  	s4 =	srdreg.scid;
	s3 =	simm.s32 $0x0;
	s14 =	simm.s32 $0x7D00  }
0x6: {  	s15 =	simm.s32 $0x1;
	s16 =	simm.s32 $0x2838;
	s17 =	simm.s32 $0x5070  }
0x7: {  	s18 =	simm.s32 $0x50D8;
	s19 =	simm.s32 $0x0;
	s7 =	smul.u32 $0x11800, s1  }
0x8: {  	s8 =	sand.u32 $0x1, s4;
	[smem:$0x7FF] =	sst s3;
	s4 =	sadd.s32 $0x2000, s5  }
0x9: {  	s10 =	sshll.u32 s1, $0x1;
	s12 =	sshll.u32 s1, $0x6;
	s9 =	smul.u32 $0x118000, s8  }
0xa: {  	_ =	strace $0x8000004D;
	s10 =	sor.u32 s8, s10;
	s8 =	ssub.s32 $0x2, s8  }
0xb: {  	s12 =	sor.u32 $0x1C02, s12;
	s11 =	sshrl.u32 s7, $0x3;
	s10 =	smul.u32 $0xA28, s10  }
0xc: {  	s31 =	sshrl.u32 s8, $0x1;
	s13 =	sadd.s32 s7, s2;
	s9 =	sadd.s32 s7, s9  }
0xd: {  	s11 =	sadd.s32 s11, s5;
	s8 =	ssub.s32 s8, s31;
	s9 =	sshrl.u32 s9, $0x3  }
0xe: {  	s13 =	sshrl.u32 s13, $0x3;
	s8 =	smax.u32 s8, $0x1;
	s9 =	sadd.s32 s9, s5  }
0xf: {  	s5 =	sadd.s32 s6, s10;
	s6 =	sadd.s32 $0x24400, s11;
	s10 =	simm.s32 $0x64  }
0x10: {  	s11 =	simm.s32 $0x5140;
	s7 =	sadd.s32 $0x47400, s9;
	s9 =	simm.s32 $0x2  }
.LBB2_1:
0x11: {  	[tilespmem:s3], [sflag:$0x2] =	stream.linear.gather [hbm4b:s5+s3], $0x5140, $0x38;
	[tilespmem:$0x1C0C0] =	vst v63  }
0x12: {  	_ =	swait.ge [sflag:s9], $0x5140  }
0x13: {  	[sflag:s9] =	ssyncset.done $0x0  }
0x14: {  	[sflag:s9] =	ssyncadd.s32 $0xFFFFAEC0  }
0x15: {  	[tilespmem:s11], [sflag:$0x1] =	stream.indirect.gather [hbm4b:s4+s10], $0x70, s3, s10, $0xb8;
	[tilespmem:$0x1C0C0] =	vst v63  }
0x16: {  	[spmem:s13], [sflag:s12] =	dma.local [hbm:s6], $0x2300  }
0x17: {  	_ =	swait.ge [sflag:s9], $0x2300  }
0x18: {  	[sflag:s9] =	ssyncset.done $0x0  }
0x19: {  	[sflag:s9] =	ssyncadd.s32 $0xFFFFDD00  }
0x1a: {  	s20 =	simm.s32 $0x68;
	[bflag:$0x0] =	sbarrier.arrive $0xFFFF  }
0x1b: {  	[tilespmem:s14], [sflag:$0x1] =	stream.indirect.gather [hbm4b:s4+s10], $0x70, s20, s10, $0xb8;
	[tilespmem:$0x1C0C0] =	vst v63  }
0x1c: {  	_ =	swait.ge [sflag:s15], $0x2BC0  }
0x1d: {  	[sflag:s15] =	ssyncset.done $0x0  }
0x1e: {  	s29 =	simm.s32 $0x28A0;
	[sflag:s15] =	ssyncadd.s32 $0xFFFFD440  }
0x1f: {  	[spmem:s2] =	stream.indirect.scatter.add.f32 [tilespmem:s11], [sflag:$0x2], $0x70, s29, s10, $0xb8;
	[tilespmem:$0x1C0C0] =	vst v63  }
0x20: {  	_ =	swait.ge [sflag:s9], $0x2BC0  }
0x21: {  	[sflag:s9] =	ssyncset.done $0x0  }
0x22: {  	s30 =	simm.s32 $0xD0;
	[sflag:s9] =	ssyncadd.s32 $0xFFFFD440  }
0x23: {  	[tilespmem:s11], [sflag:$0x1] =	stream.indirect.gather [hbm4b:s4+s10], $0x70, s30, s10, $0xb8;
	[tilespmem:$0x1C0C0] =	vst v63  }
0x24: {  	_ =	swait.ge [sflag:s15], $0x2BC0  }
0x25: {  	[sflag:s15] =	ssyncset.done $0x0  }
0x26: {  	s31 =	simm.s32 $0x2908;
	[sflag:s15] =	ssyncadd.s32 $0xFFFFD440  }
0x27: {  	[spmem:s2] =	stream.indirect.scatter.add.f32 [tilespmem:s14], [sflag:$0x2], $0x70, s31, s10, $0xb8;
	[tilespmem:$0x1C0C0] =	vst v63  }
0x28: {  	_ =	swait.ge [sflag:s9], $0x2BC0  }
0x29: {  	s21 =	simm.s32 $0x9C0;
	s20 =	simm.s32 $0x1A0;
	[sflag:s9] =	ssyncset.done $0x0  }
.LBB2_2:
0x2a: {  	s22 =	sadd.s32 $0xFFFFFF98, s20  }
0x2b: {  	[sflag:s9] =	ssyncadd.s32 $0xFFFFD440;
	s23 =	smov.u32 s21;
	s24 =	sadd.s32 $0x340, s21  }
0x2c: {  	[tilespmem:s14], [sflag:$0x1] =	stream.indirect.gather [hbm4b:s4+s10], $0x70, s22, s10, $0xb8;
	[tilespmem:$0x1C0C0] =	vst v63  }
0x2d: {  	p0 =	sne.s32 s21, $0x9F40;
	_ =	swait.ge [sflag:s15], $0x2BC0  }
0x2e: {  	[sflag:s15] =	ssyncset.done $0x0  }
0x2f: {  	s21 =	sadd.s32 $0x27D0, s20;
	[sflag:s15] =	ssyncadd.s32 $0xFFFFD440  }
0x30: {  	[spmem:s2] =	stream.indirect.scatter.add.f32 [tilespmem:s11], [sflag:$0x2], $0x70, s21, s10, $0xb8;
	[tilespmem:$0x1C0C0] =	vst v63  }
0x31: {  	_ =	swait.ge [sflag:s9], $0x2BC0  }
0x32: {  	[sflag:s9] =	ssyncset.done $0x0  }
0x33: {  	[sflag:s9] =	ssyncadd.s32 $0xFFFFD440  }
0x34: {  	[tilespmem:s11], [sflag:$0x1] =	stream.indirect.gather [hbm4b:s4+s10], $0x70, s20, s10, $0xb8;
	[tilespmem:$0x1C0C0] =	vst v63  }
0x35: {  	_ =	swait.ge [sflag:s15], $0x2BC0  }
.Ltmp0:
0x36: {  	[sflag:s15] =	ssyncset.done $0x0;
	(pc) =	sbr.rel @p0 .LBB2_2-.Ltmp0, $4  }
0x37: {  	s20 =	sadd.s32 $0x2838, s20;
	[sflag:s15] =	ssyncadd.s32 $0xFFFFD440  }
0x38: {  	[spmem:s2] =	stream.indirect.scatter.add.f32 [tilespmem:s14], [sflag:$0x2], $0x70, s20, s10, $0xb8;
	[tilespmem:$0x1C0C0] =	vst v63  }
0x39: {  	_ =	swait.ge [sflag:s9], $0x2BC0  }
0x3a: {  	s21 =	smov.u32 s24;
	s20 =	sshra.s32 s23, $0x2;
	[sflag:s9] =	ssyncset.done $0x0  }
0x3b: {  	s21 =	sadd.s32 $0xFFFFFF98, s20;
	[sflag:s9] =	ssyncadd.s32 $0xFFFFD440  }
0x3c: {  	[tilespmem:s14], [sflag:$0x1] =	stream.indirect.gather [hbm4b:s4+s10], $0x70, s21, s10, $0xb8;
	[tilespmem:$0x1C0C0] =	vst v63  }
0x3d: {  	_ =	swait.ge [sflag:s15], $0x2BC0  }
0x3e: {  	[sflag:s15] =	ssyncset.done $0x0  }
0x3f: {  	s30 =	sadd.s32 $0x27D0, s20;
	[sflag:s15] =	ssyncadd.s32 $0xFFFFD440  }
0x40: {  	[spmem:s2] =	stream.indirect.scatter.add.f32 [tilespmem:s11], [sflag:$0x2], $0x70, s30, s10, $0xb8;
	[tilespmem:$0x1C0C0] =	vst v63  }
0x41: {  	_ =	swait.ge [sflag:s9], $0x2BC0  }
0x42: {  	[sflag:s9] =	ssyncset.done $0x0  }
0x43: {  	[sflag:s9] =	ssyncadd.s32 $0xFFFFD440  }
0x44: {  	[tilespmem:s11], [sflag:$0x1] =	stream.indirect.gather [hbm4b:s4+s10], $0x70, s20, s10, $0xb8;
	[tilespmem:$0x1C0C0] =	vst v63  }
0x45: {  	_ =	swait.ge [sflag:s15], $0x2BC0  }
0x46: {  	[sflag:s15] =	ssyncset.done $0x0  }
0x47: {  	s31 =	sadd.s32 $0x2838, s20;
	[sflag:s15] =	ssyncadd.s32 $0xFFFFD440  }
0x48: {  	[spmem:s2] =	stream.indirect.scatter.add.f32 [tilespmem:s14], [sflag:$0x2], $0x70, s31, s10, $0xb8;
	[tilespmem:$0x1C0C0] =	vst v63  }
0x49: {  	_ =	swait.ge [sflag:s9], $0x2BC0  }
0x4a: {  	[sflag:s9] =	ssyncset.done $0x0  }
0x4b: {  	[sflag:s9] =	ssyncadd.s32 $0xFFFFD440  }
0x4c: {  	[tilespmem:s14], [sflag:$0x1] =	stream.indirect.gather [hbm4b:s4+s10], $0x70, s16, s10, $0xb8;
	[tilespmem:$0x1C0C0] =	vst v63  }
0x4d: {  	_ =	swait.ge [sflag:s15], $0x2BC0  }
0x4e: {  	[sflag:s15] =	ssyncset.done $0x0  }
0x4f: {  	[sflag:s15] =	ssyncadd.s32 $0xFFFFD440  }
0x50: {  	[spmem:s2] =	stream.indirect.scatter.add.f32 [tilespmem:s11], [sflag:$0x2], $0x70, s17, s10, $0xb8;
	[tilespmem:$0x1C0C0] =	vst v63  }
0x51: {  	_ =	swait.ge [sflag:s9], $0x2BC0  }
0x52: {  	[sflag:s9] =	ssyncset.done $0x0  }
0x53: {  	[sflag:s9] =	ssyncadd.s32 $0xFFFFD440  }
0x54: {  	[tilespmem:s11], [sflag:$0x1] =	stream.indirect.gather [hbm4b:s4+s10], $0x70, s3, s10, $0xb8;
	[tilespmem:$0x1C0C0] =	vst v63  }
0x55: {  	_ =	swait.ge [sflag:s15], $0x2BC0  }
0x56: {  	[sflag:s15] =	ssyncset.done $0x0  }
0x57: {  	[sflag:s15] =	ssyncadd.s32 $0xFFFFD440  }
0x58: {  	[spmem:s2] =	stream.indirect.scatter.add.f32 [tilespmem:s14], [sflag:$0x2], $0x70, s18, s10, $0xb8;
	[tilespmem:$0x1C0C0] =	vst v63  }
0x59: {  	_ =	swait.ge [sflag:s9], $0x2BC0  }
0x5a: {  	[sflag:s9] =	ssyncset.done $0x0  }
0x5b: {  	[sflag:s9] =	ssyncadd.s32 $0xFFFFD440  }
0x5c: {  	_ =	swait.ge [sflag:s15], $0x2BC0  }
0x5d: {  	s19 =	sadd.s32 $0x1, s19;
	[sflag:s15] =	ssyncset.done $0x0  }
0x5e: {  	p0 =	sne.s32 s19, s8;
	[sflag:s15] =	ssyncadd.s32 $0xFFFFD440  }
.Ltmp1:
0x5f: {  	[bflag:$0x0] =	sbarrier.arrive $0xFFFF;
	(pc) =	sbr.rel @p0 .LBB2_1-.Ltmp1, $4  }
0x60: {  	[hbm:s7], [sflag:s12] =	dma.local [spmem:s13], $0x2300  }
0x61: {  	_ =	swait.ge [sflag:s9], $0x2300  }
0x62: {  	[sflag:s9] =	ssyncset.done $0x0  }
0x63: {  	[sflag:s9] =	ssyncadd.s32 $0xFFFFDD00  }
0x64: {  	_ =	sfence.sel $0x180000  }
0x65: {  	[bflag:$0x0] =	sbarrier.arrive $0xFFFF  }
0x66: {  	p0 =	sne.s32 s1, $0x0;
	_ =	strace $0x9000004D  }
0x67: {  	s0 =	sadd.s32 @!p0 $0x100000, s0;
	[bflag:$0x2] =	sbarrier.arrive $0xFFFF  }
0x68: {  	[sflag:s0] =	ssyncadd.tile.s32 @!p0 $0x1;
	_ =	shalt  }
.Lfunc_end2:
_tile_overlayer_lowered:
.L_overlay_start_2:
0x69: {  	(tag) =	ssettag $0x2  }
0x6a: {  	s0 =	rddreg [dreg:$0x0];
	s2 =	stileid.u32  }
0x6b: {  	s1 =	rddreg [dreg:$0x1];
	p0 =	sne.s32 s2, $0x0  }
0x6c: {  	s3 =	rddreg [dreg:$0x2];
	[bflag:$0x3] =	sbarrier.arrive $0xFFFF;
	s2 =	simm.s32 @!p0 $0x1C02  }
0x6d: {  	[timem:s3], [sflag:s2] =	dma.local @!p0 [hbm:s0], s1  }
0x6e: {  	s0 =	simm.s32 @!p0 $0x2  }
0x6f: {  	_ =	swait.ge @!p0 [sflag:s0], s1  }
0x70: {  	s1 =	ssub.s32 @!p0 $0x0, s1;
	[sflag:s0] =	ssyncset.done @!p0 $0x0  }
0x71: {  	[sflag:s0] =	ssyncadd.s32 @!p0 s1  }
0x72: {  	[bflag:$0x3] =	sbarrier.arrive $0xFFFF  }
0x73: {  	_ =	shalt  }

// kernel: kernel.8.cloned.1.call-start
scs
__scs_entry_jumppad:
0x0: {  	(pc) =	sbr.rel $0x88, $3  }
0x1: {  	(tag) =	ssettag $0x0;
	lr =	simm.s32 $0x1  }
0x2: {  	[smem:$0x3F9B] =	sst lr;
	_ =	strace $0xD0000000  }
0x3: {  	_ = 	snop  }
0x4: {  	_ = 	snop  }
0x5: {  	_ = 	snop  }
0x6: {  	_ = 	snop  }
0x7: {  	_ = 	snop  }
__scs_overlays_trampoline_lowered:
0x8: {  	[smem:$0x3FAA] =	sst s0  }
0x9: {  	[smem:$0x3FAB] =	sst s1  }
0xa: {  	[smem:$0x3FAC] =	sst s2  }
0xb: {  	[smem:$0x3FAD] =	sst s3  }
0xc: {  	[smem:$0x3FAE] =	sst s4  }
0xd: {  	[smem:$0x3FAF] =	sst s5  }
0xe: {  	[smem:$0x3FB0] =	sst s6  }
0xf: {  	[smem:$0x3FB1] =	sst s7  }
0x10: {  	[smem:$0x3FB2] =	sst s8  }
0x11: {  	[smem:$0x3FB3] =	sst s9;
	s0 =	simm.s32 @!p0 $0x0  }
0x12: {  	s1 =	sld [smem:$0x3F99];
	s0 =	simm.s32 @p0 $0x1  }
0x13: {  	[smem:$0x3FB4] =	sst s0;
	s0 =	simm.s32 @!p1 $0x0  }
0x14: {  	s2 =	sld [smem:$0x3F98];
	s0 =	simm.s32 @p1 $0x1  }
0x15: {  	[smem:$0x3FB5] =	sst s0;
	s0 =	simm.s32 @!p2 $0x0  }
0x16: {  	s3 =	sld [smem:$0x3FDB];
	s0 =	simm.s32 @p2 $0x1  }
0x17: {  	s4 =	simm.s32 $0x1BF5;
	[smem:$0x3FB7] =	sst s0  }
0x18: {  	s0 =	sld [smem:$0x3F9A];
	_ =	swait.ge [sflag:s4], $0x0  }
0x19: {  	s7 =	sld [smem:$0x3F9B]  }
0x1a: {  	s8 =	sadd.s32 $0xFFFFE003, lr  }
0x1b: {  	s9 =	sadd.s32 $0xFFFFFEF7, lr;
	s5 =	simm.s32 $0xFFFFFFFF;
	p2 =	slt.u32 s8, $0xFFFFF086  }
0x1c: {  	p1 =	slt.u32 s9, $0xF7A;
	s5 =	simm.s32 @!p2 $0x0  }
0x1d: {  	s5 =	simm.s32 @p1 $0x1;
	p0 =	seq.s32 s7, s2  }
0x1e: {  	s7 =	smul.u32 @!p0 $0xF7A, s2;
	p2 =	seq.s32 @!p0 s5, $0x0  }
0x1f: {  	s9 =	smul.u32 $0xF7A, s1;
	s8 =	simm.s32 @!p0 $0x1BF5;
	p2 =	por !p2, p0  }
0x20: {  	[sflag:s8] =	ssyncset.s32 @!p0 $0xFFFFF086;
	s6 =	sadd.s32 @!p0 s3, s7;
	s7 =	simm.s32 @!p0 $0x108  }
0x21: {  	s3 =	sadd.s32 s3, s9;
	s6 =	sadd.s32 @!p0 $0x88, s6;
	s7 =	simm.s32 @p2 $0x1082  }
0x22: {  	[simem:s7], [sflag:s8] =	dma.local @!p0 [hbm:s6], $0xF7A  }
0x23: {  	s9 =	sor.u32 $0xD0000000, s2;
	s6 =	simm.s32 $0x108;
	_ =	swait.ge @!p0 [sflag:s8], $0x0  }
0x24: {  	s3 =	sadd.s32 $0x88, s3;
	s6 =	simm.s32 @!p1 $0x1082;
	[sflag:s4] =	ssyncset.s32 $0xFFFFF086  }
0x25: {  	[simem:s6], [sflag:s4] =	dma.local [hbm:s3], $0xF7A  }
0x26: {  	[smem:$0x3F9B] =	sst s1;
	(tag) =	ssettag s2;
	_ =	strace s9  }
0x27: {  	s1 =	sld [smem:$0x3FAB]  }
0x28: {  	s2 =	sld [smem:$0x3FAC]  }
0x29: {  	s4 =	sld [smem:$0x3FAE]  }
0x2a: {  	p0 =	seq.s32 s5, $0x0;
	s5 =	sld [smem:$0x3FAF]  }
0x2b: {  	s6 =	sld [smem:$0x3FB0]  }
0x2c: {  	s7 =	sld [smem:$0x3FB1]  }
0x2d: {  	s3 =	simm.s32 $0x108;
	s8 =	sld [smem:$0x3FB2]  }
0x2e: {  	s3 =	simm.s32 @!p0 $0x1082;
	s9 =	sld [smem:$0x3FB3]  }
0x2f: {  	lr =	sadd.s32 s0, s3;
	s0 =	sld [smem:$0x3FAA]  }
0x30: {  	s3 =	sld [smem:$0x3FAD]  }
0x31: {  	[smem:$0x3FB6] =	sst s10  }
0x32: {  	s10 =	sld [smem:$0x3FB4];
	_ =	sdelay $0x3  }
0x33: {  	p0 =	seq.s32 s10, $0x1;
	s10 =	sld [smem:$0x3FB6];
	_ =	sdelay $0x3  }
0x34: {  	[smem:$0x3FB6] =	sst s10  }
0x35: {  	s10 =	sld [smem:$0x3FB5];
	_ =	sdelay $0x3  }
0x36: {  	p1 =	seq.s32 s10, $0x1;
	s10 =	sld [smem:$0x3FB6];
	_ =	sdelay $0x3  }
0x37: {  	[smem:$0x3FB6] =	sst s10  }
0x38: {  	s10 =	sld [smem:$0x3FB7]  }
0x39: {  	_ = 	snop;
	(pc) =	sbr.ind lr, $3  }
0x3a: {  	_ = 	snop  }
0x3b: {  	_ = 	snop  }
0x3c: {  	p2 =	seq.s32 s10, $0x1;
	s10 =	sld [smem:$0x3FB6]  }
0x3d: {  	_ =	shalt  }
0x3e: {  	_ =	shalt  }
0x3f: {  	_ =	shalt  }
0x40: {  	_ =	shalt  }
0x41: {  	_ =	shalt  }
0x42: {  	_ =	shalt  }
0x43: {  	_ =	shalt  }
0x44: {  	_ =	shalt  }
0x45: {  	_ =	shalt  }
0x46: {  	_ =	shalt  }
0x47: {  	_ =	shalt  }
0x48: {  	_ =	shalt  }
0x49: {  	_ =	shalt  }
0x4a: {  	_ =	shalt  }
0x4b: {  	_ =	shalt  }
0x4c: {  	_ =	shalt  }
0x4d: {  	_ =	shalt  }
0x4e: {  	_ =	shalt  }
0x4f: {  	_ =	shalt  }
0x50: {  	_ =	shalt  }
0x51: {  	_ =	shalt  }
0x52: {  	_ =	shalt  }
0x53: {  	_ =	shalt  }
0x54: {  	_ =	shalt  }
0x55: {  	_ =	shalt  }
0x56: {  	_ =	shalt  }
0x57: {  	_ =	shalt  }
0x58: {  	_ =	shalt  }
0x59: {  	_ =	shalt  }
0x5a: {  	_ =	shalt  }
0x5b: {  	_ =	shalt  }
0x5c: {  	_ =	shalt  }
0x5d: {  	_ =	shalt  }
0x5e: {  	_ =	shalt  }
0x5f: {  	_ =	shalt  }
0x60: {  	_ =	shalt  }
0x61: {  	_ =	shalt  }
0x62: {  	_ =	shalt  }
0x63: {  	_ =	shalt  }
0x64: {  	_ =	shalt  }
0x65: {  	_ =	shalt  }
0x66: {  	_ =	shalt  }
0x67: {  	_ =	shalt  }
0x68: {  	_ =	shalt  }
0x69: {  	_ =	shalt  }
0x6a: {  	_ =	shalt  }
0x6b: {  	_ =	shalt  }
0x6c: {  	_ =	shalt  }
0x6d: {  	_ =	shalt  }
0x6e: {  	_ =	shalt  }
0x6f: {  	_ =	shalt  }
0x70: {  	_ =	shalt  }
0x71: {  	_ =	shalt  }
0x72: {  	_ =	shalt  }
0x73: {  	_ =	shalt  }
0x74: {  	_ =	shalt  }
0x75: {  	_ =	shalt  }
0x76: {  	_ =	shalt  }
0x77: {  	_ =	shalt  }
0x78: {  	_ =	shalt  }
0x79: {  	_ =	shalt  }
0x7a: {  	_ =	shalt  }
0x7b: {  	_ =	shalt  }
0x7c: {  	_ =	shalt  }
0x7d: {  	_ =	shalt  }
0x7e: {  	_ =	shalt  }
0x7f: {  	_ =	shalt  }
0x80: {  	_ =	shalt  }
0x81: {  	_ =	shalt  }
0x82: {  	_ =	shalt  }
0x83: {  	_ =	shalt  }
0x84: {  	_ =	shalt  }
0x85: {  	_ =	shalt  }
0x86: {  	_ =	shalt  }
0x87: {  	_ =	shalt  }
.Lfunc_end0:
.L_simem_size_0:
called_computation_lowered:
.L_overlay_start_0:
0x88: {  	s2 =	sld [smem:$0x3FD9]  }
0x89: {  	s3 =	sld [smem:$0x3FFE];
	_ =	sdelay $0x1  }
0x8a: {  	s1 =	srdreg.scid  }
0x8b: {  	s0 =	sand.u32 $0x1, s1  }
0x8c: {  	s16 =	sshll.u32 s0, $0xA;
	s2 =	sadd.s32 s3, s2  }
0x8d: {  	s2 =	sadd.s32 s2, s16  }
0x8e: {  	[smem:$0x3FC2] =	sst s2  }
0x8f: {  	_ = 	snop  }
0x90: {  	(tm) =	ssettm $0x1  }
0x91: {  	s17 =	sld [smem:$0x3FFB];
	_ =	sdelay $0x3  }
0x92: {  	_ =	strace s17  }
0x93: {  	s2 =	sld [smem:$0x3FFC];
	_ =	sdelay $0x3  }
0x94: {  	_ =	strace s2  }
0x95: {  	s2 =	sld [smem:$0x3FFD];
	_ =	sdelay $0x3  }
0x96: {  	_ =	strace s2  }
0x97: {  	_ =	strace $0x8FFFFFFF  }
0x98: {  	s18 =	sld [smem:$0x3FDB];
	_ =	sdelay $0x1  }
0x99: {  	s19 =	simm.s32 $_scs_section_size  }
0x9a: {  	s4 =	simm.s32 $_size__tile_overlayer_lowered;
	s5 =	simm.s32 $_tile_overlayer_lowered  }
0x9b: {  	s22 =	simm.s32 $0x1BFF;
	s21 =	sshll.u32 s5, $0x1;
	s2 =	sadd.s32 s19, s18  }
0x9c: {  	s6 =	simm.s32 $0x0;
	s20 =	sshll.u32 s4, $0x1;
	s4 =	sadd.s32 s21, s2  }
0x9d: {  	[timem:s6], [sflag:s22] =	dma.local [hbm:s4], s20  }
0x9e: {  	_ =	swait.ge [sflag:s22], s20  }
0x9f: {  	s3 =	ssub.s32 $0x0, s20;
	[sflag:s22] =	ssyncset.done $0x0  }
0xa0: {  	[sflag:s22] =	ssyncadd.s32 s3;
	_ =	sdelay $0x1  }
0xa1: {  	s23 =	simm.s32 $0x1B8B  }
0xa2: {  	_ =	swait.ge [sflag:s23], $0x1  }
0xa3: {  	[sflag:s23] =	ssyncset.done $0x0  }
0xa4: {  	s25 =	simm.s32 $0x1B8E;
	s24 =	sld [smem:$0x3FFE];
	[sflag:s23] =	ssyncadd.s32 $0xFFFFFFFF  }
0xa5: {  	s26 =	simm.s32 $execute0_lowered;
	[smem:$0x3FD2] =	sst s25  }
0xa6: {  	s4 =	sshll.u32 s26, $0x1;
	_ =	strace $0x80000046;
	[dreg:$0x1] =	wrdreg $0xFFFFFFFF  }
0xa7: {  	s28 =	simm.s32 $_size_execute0_lowered;
	s2 =	sadd.s32 s2, s4;
	[dreg:$0x0] =	wrdreg $0x0  }
0xa8: {  	s4 =	sshll.u32 s28, $0x1;
	[dreg:$0x2] =	wrdreg s2  }
0xa9: {  	[dreg:$0x3] =	wrdreg s4  }
0xaa: {  	[dreg:$0x4] =	wrdreg $0xC0  }
0xab: {  	_ =	task [dreg:s6], $0x5FFFF  }
0xac: {  	[dreg:$0x1] =	wrdreg $0xFFFFFFFF  }
0xad: {  	[dreg:$0x0] =	wrdreg $0x60  }
0xae: {  	[dreg:$0x2] =	wrdreg s24  }
0xaf: {  	[dreg:$0x3] =	wrdreg $0x9  }
0xb0: {  	_ =	task.clear_ibuf [dreg:s6], $0x4FFFF;
	_ =	strace $0x90000046  }
0xb1: {  	s29 =	simm.s32 $0x9;
	_ =	strace $0x80000048  }
0xb2: {  	_ =	swait.ge [sflag:s29], $0x1  }
0xb3: {  	[sflag:s29] =	ssyncadd.s32 $0xFFFFFFFF  }
0xb4: {  	_ =	strace $0x90000048  }
0xb5: {  	_ =	sfence  }
0xb6: {  	s30 =	sld [smem:$0x0];
	_ =	sdelay $0x2  }
0xb7: {  	s31 =	sshll.u32 s1, $0xD;
	s1 =	sshrl.u32 s1, $0x2  }
0xb8: {  	s3 =	sand.u32 $0x4000, s31;
	s1 =	sadd.s32 s1, s30  }
0xb9: {  	s0 =	sor.u32 s3, s0;
	s1 =	sshll.u32 s1, $0x11  }
0xba: {  	s0 =	sor.u32 s1, s0  }
0xbb: {  	s0 =	sadd.s32 $0x8F2B, s0  }
0xbc: {  	[sflag:s0] =	ssyncadd.remote.s32 $0x1  }
0xbd: {  	_ =	sfence.sel $0xFFFF  }
0xbe: {  	[dreg:$0x0] =	wrdreg $0xFFFFFFFF;
	(pc) =	sbr.abs _section_cstart, $3  }
0xbf: {  	[dreg:$0x1] =	wrdreg $0xFFFFFFFF  }
0xc0: {  	_ =	task.clear_ibuf [dreg:s6], $0x2FFFF;
	_ =	strace $0x9FFFFFFF  }
0xc1: {  	(tm) =	ssettm $0x7FFFFFFF  }
tec
execute0_lowered:
.L_overlay_start_1:
0x0: {  	(tag) =	ssettag $0x1  }
0x1: {  	s1 =	srdreg.scid;
	s0 =	stileid.u32  }
0x2: {  	s4 =	sand.u32 $0x1, s1;
	s2 =	sshll.u32 s0, $0x1  }
0x3: {  	s3 =	rddreg [dreg:$0x0];
	s5 =	sor.u32 s4, s2  }
0x4: {  	s7 =	simm.s32 $0x2780;
	s8 =	simm.s32 $0x0;
	s5 =	smul.u32 $0x4E2, s5  }
0x5: {  	s1 =	rddreg [dreg:$0x1];
	s2 =	simm.s32 $0x0;
	s4 =	ssub.s32 $0x2, s4  }
0x6: {  	[smem:$0x7FF] =	sst s2;
	s6 =	sshrl.u32 s4, $0x1;
	s5 =	sadd.s32 s5, s3  }
0x7: {  	_ =	strace $0x80000047;
	s6 =	ssub.s32 s4, s6;
	s3 =	sadd.s32 $0x2000, s5  }
0x8: {  	v0 =	vimm.f32 $0.0e+00;
	v1 =	vimm.f32 $1.000000000e+00;
	s4 =	sadd.s32 $0xBE00, s5;
	s5 =	smax.u32 s6, $0x1;
	s6 =	simm.s32 $0x1  }
.LBB2_1:
0x9: {  	[tilespmem:s2], [sflag:$0x1] =	stream.linear.gather [hbm4b:s3+s2], $0x2710, $0x38;
	[tilespmem:$0x4F00] =	vst v63  }
0xa: {  	_ =	swait.ge [sflag:s6], $0x2710  }
0xb: {  	[sflag:s6] =	ssyncset.done $0x0  }
0xc: {  	s9 =	simm.s32 $0x0;
	[sflag:s6] =	ssyncadd.s32 $0xFFFFD8F0  }
.LBB2_2:
0xd: {  	p0 =	sne.s32 s9, $0x9C00  }
.Ltmp0:
0xe: {  	_ = 	snop;
	(pc) =	sbr.rel @p0 .LBB2_2-.Ltmp0, $3  }
0xf: {  	_ =	sdelay $0x1  }
0x10: {  	s10 =	sshra.s32 s9, $0x2  }
0x11: {  	s9 =	sadd.s32 $0x40, s9;
	[tilespmem:s10+$0x2780] =	vst v0  }
0x12: {  	s10 =	simm.s32 $0x0;
	s9 =	simm.s32 $0x40  }
.LBB2_4:
0x13: {  	p0 =	sne.s32 s9, $0x9C00;
	v2 =	vld [tilespmem:s10+$0x0];
	_ =	sdelay $0x3  }
.Ltmp1:
0x14: {  	(pc) =	sbr.rel @p0 .LBB2_4-.Ltmp1, $2  }
0x15: {  	_ =	sdelay $0x2  }
0x16: {  	s10 =	sshra.s32 s9, $0x2;
	s9 =	sadd.s32 $0x40, s9;
	[tilespmem:v2+s7+$0x0] =	vst.idx.add.f32.msk $0xffff, v1  }
0x17: {  	v2 =	vld [tilespmem:s10+$0x0];
	_ =	sdelay $0x5  }
0x18: {  	s8 =	sadd.s32 $0x1, s8  }
0x19: {  	p0 =	sne.s32 s8, s5  }
.Ltmp2:
0x1a: {  	[tilespmem:v2+s7+$0x0] =	vst.idx.add.f32.msk $0xffff, v1;
	(pc) =	sbr.rel @p0 .LBB2_1-.Ltmp2, $4  }
0x1b: {  	[hbm4b:s4+s2] =	stream.linear.scatter [tilespmem:s7], [sflag:$0x1], $0x2710, $0x38;
	[tilespmem:$0x4F00] =	vst v63  }
0x1c: {  	_ =	swait.ge [sflag:s6], $0x2710  }
0x1d: {  	[sflag:s6] =	ssyncset.done $0x0  }
0x1e: {  	[sflag:s6] =	ssyncadd.s32 $0xFFFFD8F0  }
0x1f: {  	_ =	sfence.sel $0x180000  }
0x20: {  	[bflag:$0x0] =	sbarrier.arrive $0xFFFF  }
0x21: {  	p0 =	sne.s32 s0, $0x0;
	_ =	strace $0x90000047  }
0x22: {  	s0 =	sadd.s32 @!p0 $0x100000, s1;
	[bflag:$0x2] =	sbarrier.arrive $0xFFFF  }
0x23: {  	[sflag:s0] =	ssyncadd.tile.s32 @!p0 $0x1;
	_ =	shalt  }
.Lfunc_end2:
_tile_overlayer_lowered:
.L_overlay_start_2:
0x24: {  	(tag) =	ssettag $0x2  }
0x25: {  	s0 =	rddreg [dreg:$0x0];
	s2 =	stileid.u32  }
0x26: {  	s1 =	rddreg [dreg:$0x1];
	p0 =	sne.s32 s2, $0x0  }
0x27: {  	s3 =	rddreg [dreg:$0x2];
	[bflag:$0x3] =	sbarrier.arrive $0xFFFF;
	s2 =	simm.s32 @!p0 $0x1C01  }
0x28: {  	[timem:s3], [sflag:s2] =	dma.local @!p0 [hbm:s0], s1  }
0x29: {  	s0 =	simm.s32 @!p0 $0x1  }
0x2a: {  	_ =	swait.ge @!p0 [sflag:s0], s1  }
0x2b: {  	s1 =	ssub.s32 @!p0 $0x0, s1;
	[sflag:s0] =	ssyncset.done @!p0 $0x0  }
0x2c: {  	[sflag:s0] =	ssyncadd.s32 @!p0 s1  }
0x2d: {  	[bflag:$0x3] =	sbarrier.arrive $0xFFFF  }
0x2e: {  	_ =	shalt  }

</sc_bundles>
